<compile_context>
chip_gen: v7x
topology: tpu7x:2x2x1
jax: 0.10.2.dev20260603
libtpu: 0.0.44.dev20260713+nightly
codegen_flags: <defaults>
</compile_context>

<pallas_src>
import functools

import jax
import jax.numpy as jnp
from jax import lax
from jax.experimental import pallas as pl
from jax.experimental.pallas import tpu as pltpu
from jax.experimental.pallas import tpu_sc as plsc

D = 128
L = 16
ND = D // L
S = 200
CHUNK = 128
EPS = 1e-12


def _rsqrt_vec(x):
    i = plsc.bitcast(x, jnp.int32)
    i = jnp.int32(0x5F3759DF) - lax.shift_right_logical(i, 1)
    y = plsc.bitcast(i, jnp.float32)
    for _ in range(3):
        y = y * (1.5 - 0.5 * x * y * y)
    return y


_GDN = lax.GatherDimensionNumbers(
    offset_dims=(), collapsed_slice_dims=(0,), start_index_map=(0,))


def _shuffle(v, perm):
    return lax.gather(v, perm[:, None], _GDN, (1,),
                      mode=lax.GatherScatterMode.PROMISE_IN_BOUNDS)


def _splat_sum(v, iota):
    for k in (8, 4, 2, 1):
        v = v + _shuffle(v, iota ^ k)
    return v


def _tree_sum(vs):
    while len(vs) > 1:
        vs = [a + b for a, b in zip(vs[::2], vs[1::2])]
    return vs[0]


def _make_sc_kernel(total_tokens):
    info = plsc.get_sparse_core_info()
    nc, ns = info.num_cores, info.num_subcores
    nw = nc * ns
    tok_per_w = total_tokens // nw
    chunks_per_w = tok_per_w // CHUNK

    mesh = plsc.VectorSubcoreMesh(core_axis_name="c", subcore_axis_name="s")

    @functools.partial(
        pl.kernel,
        mesh=mesh,
        out_type=jax.ShapeDtypeStruct((total_tokens, D), jnp.float32),
        compiler_params=pltpu.CompilerParams(needs_layout_passes=False),
        scratch_types=[
            pltpu.VMEM((chunks_per_w, CHUNK), jnp.int32),
            pltpu.VMEM((2 * S, D), jnp.float32),
            pltpu.VMEM((CHUNK, D), jnp.float32),
            pltpu.VMEM((CHUNK, D), jnp.float32),
            pltpu.VMEM((CHUNK, D), jnp.float32),
            pltpu.VMEM((CHUNK, D), jnp.float32),
            pltpu.VMEM((2, D), jnp.float32),
            pltpu.SemaphoreType.DMA,
            pltpu.SemaphoreType.DMA,
            pltpu.SemaphoreType.DMA,
            pltpu.SemaphoreType.DMA,
        ],
    )
    def sc_kernel(x_hbm, tok_hbm, pos2_hbm, gb_hbm, out_hbm,
                  idx_v, pos_v, g0_v, g1_v, o0_v, o1_v, gb_v,
                  sg0, sg1, so0, so1):
        wid = lax.axis_index("s") * nc + lax.axis_index("c")
        base = wid * tok_per_w

        pltpu.sync_copy(x_hbm.at[wid], idx_v)
        pltpu.sync_copy(pos2_hbm, pos_v)
        pltpu.sync_copy(gb_hbm, gb_v)
        g = [gb_v[0, pl.ds(j * L, L)] for j in range(ND)]
        b = [gb_v[1, pl.ds(j * L, L)] for j in range(ND)]

        def fire_g(c, buf, sem):
            pltpu.async_copy(tok_hbm.at[idx_v.at[c]], buf, sem)

        def wait_g(c, buf, sem):
            pltpu.make_async_copy(tok_hbm.at[idx_v.at[c]], buf, sem).wait()

        def fire_o(c, buf, sem):
            pltpu.async_copy(buf, out_hbm.at[pl.ds(base + c * CHUNK, CHUNK)], sem)

        def wait_o(c, buf, sem):
            pltpu.make_async_copy(
                buf, out_hbm.at[pl.ds(base + c * CHUNK, CHUNK)], sem).wait()

        iota = lax.iota(jnp.int32, L)

        def compute(c, gbuf, obuf):
            s0 = lax.rem(c * CHUNK, S)

            @plsc.parallel_loop(0, CHUNK, 1, unroll=4)
            def tok_body(t):
                p = s0 + t
                v = [gbuf[t, pl.ds(j * L, L)] + pos_v[p, pl.ds(j * L, L)]
                     for j in range(ND)]
                tot = _splat_sum(_tree_sum(v), iota)
                tot2 = _splat_sum(_tree_sum([u * u for u in v]), iota)
                mean = tot * (1.0 / D)
                var = tot2 * (1.0 / D) - mean * mean + EPS
                rstd = _rsqrt_vec(var)
                for j in range(ND):
                    ag = rstd * g[j]
                    bb = b[j] - mean * ag
                    obuf[t, pl.ds(j * L, L)] = v[j] * ag + bb

        fire_g(0, g0_v, sg0)
        fire_g(1, g1_v, sg1)

        def pair_body(p, carry):
            for k, (gbuf, obuf, sg, so) in enumerate(
                    ((g0_v, o0_v, sg0, so0), (g1_v, o1_v, sg1, so1))):
                c = 2 * p + k
                wait_g(c, gbuf, sg)

                @pl.when(c >= 2)
                def _():
                    wait_o(c - 2, obuf, so)

                compute(c, gbuf, obuf)
                fire_o(c, obuf, so)

                @pl.when(c + 2 < chunks_per_w)
                def _():
                    fire_g(c + 2, gbuf, sg)
            return carry

        lax.fori_loop(0, chunks_per_w // 2, pair_body, 0)
        wait_o(chunks_per_w - 2, o0_v, so0)
        wait_o(chunks_per_w - 1, o1_v, so1)

    return sc_kernel


def kernel(x, tok_table, pos_table, gamma, beta):
    bsz, seq = x.shape
    total = bsz * seq
    info = plsc.get_sparse_core_info()
    nw = info.num_cores * info.num_subcores
    x2 = x.reshape(nw, total // (nw * CHUNK), CHUNK)
    pos2 = jnp.concatenate([pos_table[:seq], pos_table[:seq]], axis=0)
    gb = jnp.stack([gamma, beta], axis=0)
    out = _make_sc_kernel(total)(x2, tok_table, pos2, gb)
    return out.reshape(bsz, seq, D)

# --- scband reference (transcript-rebuilt; emitter-appended) ---
"""Pipeline reference for scband-bert-embedding-32796370272416 (READ-ONLY COPY).

The authoritative reference and input builder live on the scoring server;
editing this copy changes nothing except your own understanding.
"""

import jax, jax.numpy as jnp
import numpy as np

VOCAB = 100000
D = 128
MAX_POS = 512
B = 1024
S = 200
EPS = 1e-12

def setup_inputs(seed: int = 0) -> dict:
    key = jax.random.key(seed)
    k1, k2, k3 = jax.random.split(key, 3)
    x = jax.random.randint(k1, (B, S), 0, VOCAB, dtype=jnp.int32)
    tok_table = jax.random.normal(k2, (VOCAB, D), dtype=jnp.float32) * 0.02
    tok_table = tok_table.at[0].set(0.0)  # padding_idx=0
    pos_table = jax.random.normal(k3, (MAX_POS, D), dtype=jnp.float32) * 0.02
    gamma = jnp.ones((D,), dtype=jnp.float32)
    beta = jnp.zeros((D,), dtype=jnp.float32)
    return {"x": x, "tok_table": tok_table, "pos_table": pos_table, "gamma": gamma, "beta": beta}

def reference(x, tok_table, pos_table, gamma, beta):
    seq_len = x.shape[1]
    # position embedding lookup (position_ids = arange(seq_len))
    position = pos_table[:seq_len][None, :, :]
    # token embedding gather
    token = jnp.take(tok_table, x, axis=0)
    emb = token + position
    # LayerNorm(eps=1e-12)
    mean = jnp.mean(emb, axis=-1, keepdims=True)
    var = jnp.var(emb, axis=-1, keepdims=True)
    emb = (emb - mean) / jnp.sqrt(var + EPS)
    emb = emb * gamma + beta
    # dropout is identity in eval mode
    return emb

if __name__ == "__main__":
    import jax
    _d = setup_inputs()
    print(jax.jit(kernel)(*tuple(_d.values())))

</pallas_src>

<mosaic_0001>
#map = affine_map<(d0, d1) -> (0, 0, 0)>
#map1 = affine_map<(d0, d1) -> (0, 0)>
module attributes {stable_mosaic.version = 14 : i64} {
  func.func @sc_kernel(%arg0: i32, %arg1: i32, %arg2: memref<32x50x128xi32, #tpu.memory_space<hbm>>, %arg3: memref<100000x128xf32, #tpu.memory_space<hbm>>, %arg4: memref<400x128xf32, #tpu.memory_space<hbm>>, %arg5: memref<2x128xf32, #tpu.memory_space<hbm>>, %arg6: memref<204800x128xf32, #tpu.memory_space<hbm>>, %arg7: memref<50x128xi32, #tpu.memory_space<vmem>>, %arg8: memref<400x128xf32, #tpu.memory_space<vmem>>, %arg9: memref<128x128xf32, #tpu.memory_space<vmem>>, %arg10: memref<128x128xf32, #tpu.memory_space<vmem>>, %arg11: memref<128x128xf32, #tpu.memory_space<vmem>>, %arg12: memref<128x128xf32, #tpu.memory_space<vmem>>, %arg13: memref<2x128xf32, #tpu.memory_space<vmem>>, %arg14: memref<!tpu.dma_semaphore, #tpu.memory_space<semaphore_mem>>, %arg15: memref<!tpu.dma_semaphore, #tpu.memory_space<semaphore_mem>>, %arg16: memref<!tpu.dma_semaphore, #tpu.memory_space<semaphore_mem>>, %arg17: memref<!tpu.dma_semaphore, #tpu.memory_space<semaphore_mem>>) attributes {dimension_semantics = [#tpu.dimension_semantics<core_parallel>, #tpu.dimension_semantics<subcore_parallel>], iteration_bounds = array<i64: 2, 16>, scalar_prefetch = 0 : i64, scratch_operands = 11 : i64, tpu.core_type = #tpu.core_type<sc_vector_subcore>, window_params = [{transform_indices = #map}, {transform_indices = #map1}, {transform_indices = #map1}, {transform_indices = #map1}, {transform_indices = #map1}]} {
    %mul3A = arith.constant 2 : i32
    %mul3A_0 = arith.muli %arg1, %mul3A : i32
    %add3A = arith.addi %mul3A_0, %arg0 : i32
    %mul3A_1 = arith.constant 6400 : i32
    %mul3A_2 = arith.muli %add3A, %mul3A_1 : i32
    "tpu.region"() ({
      %run_scoped3A = tpu.sem_alloc : memref<!tpu.dma_semaphore, #tpu.memory_space<semaphore_mem>>
      %dma_start3A_95 = arith.constant 0 : i32
      %dma_start3A_96 = arith.constant 0 : i32
      %dma_start3A_97 = tpu.memref_slice %arg2[%add3A, %dma_start3A_95, %dma_start3A_96] : memref<32x50x128xi32, #tpu.memory_space<hbm>> -> memref<1x50x128xi32, #tpu.memory_space<hbm>>
      %dma_start3A_98 = tpu.memref_squeeze %dma_start3A_97 : memref<1x50x128xi32, #tpu.memory_space<hbm>> -> memref<50x128xi32, #tpu.memory_space<hbm>>
      %dma_start3A_99 = arith.constant 0 : i32
      %dma_start3A_100 = arith.constant 0 : i32
      %dma_start3A_101 = tpu.memref_slice %arg2[%add3A, %dma_start3A_99, %dma_start3A_100] : memref<32x50x128xi32, #tpu.memory_space<hbm>> -> memref<1x50x128xi32, #tpu.memory_space<hbm>>
      %dma_start3A_102 = tpu.memref_squeeze %dma_start3A_101 : memref<1x50x128xi32, #tpu.memory_space<hbm>> -> memref<50x128xi32, #tpu.memory_space<hbm>>
      tpu.enqueue_dma source(%dma_start3A_102 : memref<50x128xi32, #tpu.memory_space<hbm>>) target(%arg7 : memref<50x128xi32, #tpu.memory_space<vmem>>) target_semaphore(%run_scoped3A : memref<!tpu.dma_semaphore, #tpu.memory_space<semaphore_mem>>)
      %dma_wait3A_103 = arith.constant 0 : i32
      %dma_wait3A_104 = arith.constant 0 : i32
      %dma_wait3A_105 = tpu.memref_slice %arg2[%add3A, %dma_wait3A_103, %dma_wait3A_104] : memref<32x50x128xi32, #tpu.memory_space<hbm>> -> memref<1x50x128xi32, #tpu.memory_space<hbm>>
      %dma_wait3A_106 = tpu.memref_squeeze %dma_wait3A_105 : memref<1x50x128xi32, #tpu.memory_space<hbm>> -> memref<50x128xi32, #tpu.memory_space<hbm>>
      %dma_wait3A_107 = arith.constant 0 : i32
      %dma_wait3A_108 = arith.constant 0 : i32
      %dma_wait3A_109 = tpu.memref_slice %arg2[%add3A, %dma_wait3A_107, %dma_wait3A_108] : memref<32x50x128xi32, #tpu.memory_space<hbm>> -> memref<1x50x128xi32, #tpu.memory_space<hbm>>
      %dma_wait3A_110 = tpu.memref_squeeze %dma_wait3A_109 : memref<1x50x128xi32, #tpu.memory_space<hbm>> -> memref<50x128xi32, #tpu.memory_space<hbm>>
      tpu.wait_dma2 semaphore(%run_scoped3A : memref<!tpu.dma_semaphore, #tpu.memory_space<semaphore_mem>>) src(%dma_wait3A_110 : memref<50x128xi32, #tpu.memory_space<hbm>>) dst(%arg7 : memref<50x128xi32, #tpu.memory_space<vmem>>)
      tpu.yield
    }) : () -> ()
    "tpu.region"() ({
      %run_scoped3A = tpu.sem_alloc : memref<!tpu.dma_semaphore, #tpu.memory_space<semaphore_mem>>
      tpu.enqueue_dma source(%arg4 : memref<400x128xf32, #tpu.memory_space<hbm>>) target(%arg8 : memref<400x128xf32, #tpu.memory_space<vmem>>) target_semaphore(%run_scoped3A : memref<!tpu.dma_semaphore, #tpu.memory_space<semaphore_mem>>)
      tpu.wait_dma2 semaphore(%run_scoped3A : memref<!tpu.dma_semaphore, #tpu.memory_space<semaphore_mem>>) src(%arg4 : memref<400x128xf32, #tpu.memory_space<hbm>>) dst(%arg8 : memref<400x128xf32, #tpu.memory_space<vmem>>)
      tpu.yield
    }) : () -> ()
    "tpu.region"() ({
      %run_scoped3A = tpu.sem_alloc : memref<!tpu.dma_semaphore, #tpu.memory_space<semaphore_mem>>
      tpu.enqueue_dma source(%arg5 : memref<2x128xf32, #tpu.memory_space<hbm>>) target(%arg13 : memref<2x128xf32, #tpu.memory_space<vmem>>) target_semaphore(%run_scoped3A : memref<!tpu.dma_semaphore, #tpu.memory_space<semaphore_mem>>)
      tpu.wait_dma2 semaphore(%run_scoped3A : memref<!tpu.dma_semaphore, #tpu.memory_space<semaphore_mem>>) src(%arg5 : memref<2x128xf32, #tpu.memory_space<hbm>>) dst(%arg13 : memref<2x128xf32, #tpu.memory_space<vmem>>)
      tpu.yield
    }) : () -> ()
    %get3A = arith.constant 0 : i32
    %get3A_3 = arith.index_cast %get3A : i32 to index
    %get3A_4 = arith.constant 0 : index
    %get3A_5 = tpu.vector_load %arg13[%get3A_3, %get3A_4] {strides = array<i32>} : memref<2x128xf32, #tpu.memory_space<vmem>>, vector<16xf32>,
    %get3A_6 = arith.constant 0 : i32
    %get3A_7 = arith.index_cast %get3A_6 : i32 to index
    %get3A_8 = arith.constant 16 : index
    %get3A_9 = tpu.vector_load %arg13[%get3A_7, %get3A_8] {strides = array<i32>} : memref<2x128xf32, #tpu.memory_space<vmem>>, vector<16xf32>,
    %get3A_10 = arith.constant 0 : i32
    %get3A_11 = arith.index_cast %get3A_10 : i32 to index
    %get3A_12 = arith.constant 32 : index
    %get3A_13 = tpu.vector_load %arg13[%get3A_11, %get3A_12] {strides = array<i32>} : memref<2x128xf32, #tpu.memory_space<vmem>>, vector<16xf32>,
    %get3A_14 = arith.constant 0 : i32
    %get3A_15 = arith.index_cast %get3A_14 : i32 to index
    %get3A_16 = arith.constant 48 : index
    %get3A_17 = tpu.vector_load %arg13[%get3A_15, %get3A_16] {strides = array<i32>} : memref<2x128xf32, #tpu.memory_space<vmem>>, vector<16xf32>,
    %get3A_18 = arith.constant 0 : i32
    %get3A_19 = arith.index_cast %get3A_18 : i32 to index
    %get3A_20 = arith.constant 64 : index
    %get3A_21 = tpu.vector_load %arg13[%get3A_19, %get3A_20] {strides = array<i32>} : memref<2x128xf32, #tpu.memory_space<vmem>>, vector<16xf32>,
    %get3A_22 = arith.constant 0 : i32
    %get3A_23 = arith.index_cast %get3A_22 : i32 to index
    %get3A_24 = arith.constant 80 : index
    %get3A_25 = tpu.vector_load %arg13[%get3A_23, %get3A_24] {strides = array<i32>} : memref<2x128xf32, #tpu.memory_space<vmem>>, vector<16xf32>,
    %get3A_26 = arith.constant 0 : i32
    %get3A_27 = arith.index_cast %get3A_26 : i32 to index
    %get3A_28 = arith.constant 96 : index
    %get3A_29 = tpu.vector_load %arg13[%get3A_27, %get3A_28] {strides = array<i32>} : memref<2x128xf32, #tpu.memory_space<vmem>>, vector<16xf32>,
    %get3A_30 = arith.constant 0 : i32
    %get3A_31 = arith.index_cast %get3A_30 : i32 to index
    %get3A_32 = arith.constant 112 : index
    %get3A_33 = tpu.vector_load %arg13[%get3A_31, %get3A_32] {strides = array<i32>} : memref<2x128xf32, #tpu.memory_space<vmem>>, vector<16xf32>,
    %get3A_34 = arith.constant 1 : i32
    %get3A_35 = arith.index_cast %get3A_34 : i32 to index
    %get3A_36 = arith.constant 0 : index
    %get3A_37 = tpu.vector_load %arg13[%get3A_35, %get3A_36] {strides = array<i32>} : memref<2x128xf32, #tpu.memory_space<vmem>>, vector<16xf32>,
    %get3A_38 = arith.constant 1 : i32
    %get3A_39 = arith.index_cast %get3A_38 : i32 to index
    %get3A_40 = arith.constant 16 : index
    %get3A_41 = tpu.vector_load %arg13[%get3A_39, %get3A_40] {strides = array<i32>} : memref<2x128xf32, #tpu.memory_space<vmem>>, vector<16xf32>,
    %get3A_42 = arith.constant 1 : i32
    %get3A_43 = arith.index_cast %get3A_42 : i32 to index
    %get3A_44 = arith.constant 32 : index
    %get3A_45 = tpu.vector_load %arg13[%get3A_43, %get3A_44] {strides = array<i32>} : memref<2x128xf32, #tpu.memory_space<vmem>>, vector<16xf32>,
    %get3A_46 = arith.constant 1 : i32
    %get3A_47 = arith.index_cast %get3A_46 : i32 to index
    %get3A_48 = arith.constant 48 : index
    %get3A_49 = tpu.vector_load %arg13[%get3A_47, %get3A_48] {strides = array<i32>} : memref<2x128xf32, #tpu.memory_space<vmem>>, vector<16xf32>,
    %get3A_50 = arith.constant 1 : i32
    %get3A_51 = arith.index_cast %get3A_50 : i32 to index
    %get3A_52 = arith.constant 64 : index
    %get3A_53 = tpu.vector_load %arg13[%get3A_51, %get3A_52] {strides = array<i32>} : memref<2x128xf32, #tpu.memory_space<vmem>>, vector<16xf32>,
    %get3A_54 = arith.constant 1 : i32
    %get3A_55 = arith.index_cast %get3A_54 : i32 to index
    %get3A_56 = arith.constant 80 : index
    %get3A_57 = tpu.vector_load %arg13[%get3A_55, %get3A_56] {strides = array<i32>} : memref<2x128xf32, #tpu.memory_space<vmem>>, vector<16xf32>,
    %get3A_58 = arith.constant 1 : i32
    %get3A_59 = arith.index_cast %get3A_58 : i32 to index
    %get3A_60 = arith.constant 96 : index
    %get3A_61 = tpu.vector_load %arg13[%get3A_59, %get3A_60] {strides = array<i32>} : memref<2x128xf32, #tpu.memory_space<vmem>>, vector<16xf32>,
    %get3A_62 = arith.constant 1 : i32
    %get3A_63 = arith.index_cast %get3A_62 : i32 to index
    %get3A_64 = arith.constant 112 : index
    %get3A_65 = tpu.vector_load %arg13[%get3A_63, %get3A_64] {strides = array<i32>} : memref<2x128xf32, #tpu.memory_space<vmem>>, vector<16xf32>,
    %iota3A = tpu.iota {dimensions = array<i32: 0>} : vector<16xi32>
    %dma_start3A = arith.constant 0 : i32
    %dma_start3A_66 = arith.constant 0 : i32
    %dma_start3A_67 = tpu.memref_slice %arg7[%dma_start3A, %dma_start3A_66] : memref<50x128xi32, #tpu.memory_space<vmem>> -> memref<1x128xi32, #tpu.memory_space<vmem>>
    %dma_start3A_68 = tpu.memref_squeeze %dma_start3A_67 : memref<1x128xi32, #tpu.memory_space<vmem>> -> memref<128xi32, #tpu.memory_space<vmem>>
    %dma_start3A_69 = arith.constant 0 : i32
    %dma_start3A_70 = arith.constant 0 : i32
    %dma_start3A_71 = tpu.memref_slice %arg3[%dma_start3A_69, %dma_start3A_70] : memref<100000x128xf32, #tpu.memory_space<hbm>> -> memref<100000x128xf32, #tpu.memory_space<hbm>>
    tpu.enqueue_indirect_dma source(%dma_start3A_71 : memref<100000x128xf32, #tpu.memory_space<hbm>>) target(%arg9 : memref<128x128xf32, #tpu.memory_space<vmem>>) offsets(%dma_start3A_68 : memref<128xi32, #tpu.memory_space<vmem>>) semaphore(%arg14 : memref<!tpu.dma_semaphore, #tpu.memory_space<semaphore_mem>>)
    %dma_start3A_72 = arith.constant 1 : i32
    %dma_start3A_73 = arith.constant 0 : i32
    %dma_start3A_74 = tpu.memref_slice %arg7[%dma_start3A_72, %dma_start3A_73] : memref<50x128xi32, #tpu.memory_space<vmem>> -> memref<1x128xi32, #tpu.memory_space<vmem>>
    %dma_start3A_75 = tpu.memref_squeeze %dma_start3A_74 : memref<1x128xi32, #tpu.memory_space<vmem>> -> memref<128xi32, #tpu.memory_space<vmem>>
    %dma_start3A_76 = arith.constant 0 : i32
    %dma_start3A_77 = arith.constant 0 : i32
    %dma_start3A_78 = tpu.memref_slice %arg3[%dma_start3A_76, %dma_start3A_77] : memref<100000x128xf32, #tpu.memory_space<hbm>> -> memref<100000x128xf32, #tpu.memory_space<hbm>>
    tpu.enqueue_indirect_dma source(%dma_start3A_78 : memref<100000x128xf32, #tpu.memory_space<hbm>>) target(%arg10 : memref<128x128xf32, #tpu.memory_space<vmem>>) offsets(%dma_start3A_75 : memref<128xi32, #tpu.memory_space<vmem>>) semaphore(%arg15 : memref<!tpu.dma_semaphore, #tpu.memory_space<semaphore_mem>>)
    %scan3A = arith.constant 0 : i32
    %scan3A_79 = arith.constant 0 : i32
    %scan3A_80 = arith.constant 25 : i32
    %scan3A_81 = arith.addi %scan3A_79, %scan3A_80 : i32
    %scan3A_82 = arith.constant 1 : i32
    scf.for %scan3A_95 = %scan3A_79 to %scan3A_81 step %scan3A_82  : i32 {
      %mul3A_96 = arith.constant 2 : i32
      %mul3A_97 = arith.muli %mul3A_96, %scan3A_95 : i32
      %add3A_98 = arith.constant 0 : i32
      %add3A_99 = arith.addi %mul3A_97, %add3A_98 : i32
      %dma_wait3A_100 = arith.constant 0 : i32
      %dma_wait3A_101 = tpu.memref_slice %arg7[%add3A_99, %dma_wait3A_100] : memref<50x128xi32, #tpu.memory_space<vmem>> -> memref<1x128xi32, #tpu.memory_space<vmem>>
      %dma_wait3A_102 = tpu.memref_squeeze %dma_wait3A_101 : memref<1x128xi32, #tpu.memory_space<vmem>> -> memref<128xi32, #tpu.memory_space<vmem>>
      %dma_wait3A_103 = arith.constant 0 : i32
      %dma_wait3A_104 = arith.constant 0 : i32
      %dma_wait3A_105 = tpu.memref_slice %arg3[%dma_wait3A_103, %dma_wait3A_104] : memref<100000x128xf32, #tpu.memory_space<hbm>> -> memref<100000x128xf32, #tpu.memory_space<hbm>>
      tpu.wait_indirect_dma semaphore(%arg14 : memref<!tpu.dma_semaphore, #tpu.memory_space<semaphore_mem>>) src(%dma_wait3A_105 : memref<100000x128xf32, #tpu.memory_space<hbm>>) dst(%arg9 : memref<128x128xf32, #tpu.memory_space<vmem>>)
      %ge3A = arith.constant 2 : i32
      %ge3A_106 = arith.cmpi sge, %add3A_99, %ge3A : i32
      %convert_element_type3A = arith.extui %ge3A_106 : i1 to i32
      %cond3A = arith.constant 0 : i32
      %cond3A_107 = arith.cmpi ne, %convert_element_type3A, %cond3A : i32
      scf.if %cond3A_107 {
        %sub3A = arith.constant 2 : i32
        %sub3A_162 = arith.subi %add3A_99, %sub3A : i32
        %mul3A_163 = arith.constant 128 : i32
        %mul3A_164 = arith.muli %sub3A_162, %mul3A_163 : i32
        %add3A_165 = arith.addi %mul3A_2, %mul3A_164 : i32
        %dma_wait3A_166 = arith.constant 0 : i32
        %dma_wait3A_167 = tpu.memref_slice %arg6[%add3A_165, %dma_wait3A_166] : memref<204800x128xf32, #tpu.memory_space<hbm>> -> memref<128x128xf32, #tpu.memory_space<hbm>>
        %dma_wait3A_168 = arith.constant 0 : i32
        %dma_wait3A_169 = tpu.memref_slice %arg6[%add3A_165, %dma_wait3A_168] : memref<204800x128xf32, #tpu.memory_space<hbm>> -> memref<128x128xf32, #tpu.memory_space<hbm>>
        tpu.wait_dma2 semaphore(%arg16 : memref<!tpu.dma_semaphore, #tpu.memory_space<semaphore_mem>>) src(%arg11 : memref<128x128xf32, #tpu.memory_space<vmem>>) dst(%dma_wait3A_169 : memref<128x128xf32, #tpu.memory_space<hbm>>)
      } else {
      }
      %mul3A_108 = arith.constant 128 : i32
      %mul3A_109 = arith.muli %add3A_99, %mul3A_108 : i32
      %rem3A = arith.constant 200 : i32
      %rem3A_110 = arith.remsi %mul3A_109, %rem3A : i32
      %parallel_loop3A = arith.constant 0 : i32
      %parallel_loop3A_111 = arith.constant 128 : i32
      %parallel_loop3A_112 = arith.constant 1 : i32
      scf.for %parallel_loop3A_162 = %parallel_loop3A to %parallel_loop3A_111 step %parallel_loop3A_112  : i32 {
        %parallel_loop3A_163 = arith.addi %rem3A_110, %parallel_loop3A_162 : i32
        %parallel_loop3A_164 = arith.index_cast %parallel_loop3A_162 : i32 to index
        %parallel_loop3A_165 = arith.constant 0 : index
        %parallel_loop3A_166 = tpu.vector_load %arg9[%parallel_loop3A_164, %parallel_loop3A_165] {strides = array<i32>} : memref<128x128xf32, #tpu.memory_space<vmem>>, vector<16xf32>,
        %parallel_loop3A_167 = arith.index_cast %parallel_loop3A_163 : i32 to index
        %parallel_loop3A_168 = arith.constant 0 : index
        %parallel_loop3A_169 = tpu.vector_load %arg8[%parallel_loop3A_167, %parallel_loop3A_168] {strides = array<i32>} : memref<400x128xf32, #tpu.memory_space<vmem>>, vector<16xf32>,
        %parallel_loop3A_170 = arith.addf %parallel_loop3A_166, %parallel_loop3A_169 : vector<16xf32>
        %parallel_loop3A_171 = arith.index_cast %parallel_loop3A_162 : i32 to index
        %parallel_loop3A_172 = arith.constant 16 : index
        %parallel_loop3A_173 = tpu.vector_load %arg9[%parallel_loop3A_171, %parallel_loop3A_172] {strides = array<i32>} : memref<128x128xf32, #tpu.memory_space<vmem>>, vector<16xf32>,
        %parallel_loop3A_174 = arith.index_cast %parallel_loop3A_163 : i32 to index
        %parallel_loop3A_175 = arith.constant 16 : index
        %parallel_loop3A_176 = tpu.vector_load %arg8[%parallel_loop3A_174, %parallel_loop3A_175] {strides = array<i32>} : memref<400x128xf32, #tpu.memory_space<vmem>>, vector<16xf32>,
        %parallel_loop3A_177 = arith.addf %parallel_loop3A_173, %parallel_loop3A_176 : vector<16xf32>
        %parallel_loop3A_178 = arith.index_cast %parallel_loop3A_162 : i32 to index
        %parallel_loop3A_179 = arith.constant 32 : index
        %parallel_loop3A_180 = tpu.vector_load %arg9[%parallel_loop3A_178, %parallel_loop3A_179] {strides = array<i32>} : memref<128x128xf32, #tpu.memory_space<vmem>>, vector<16xf32>,
        %parallel_loop3A_181 = arith.index_cast %parallel_loop3A_163 : i32 to index
        %parallel_loop3A_182 = arith.constant 32 : index
        %parallel_loop3A_183 = tpu.vector_load %arg8[%parallel_loop3A_181, %parallel_loop3A_182] {strides = array<i32>} : memref<400x128xf32, #tpu.memory_space<vmem>>, vector<16xf32>,
        %parallel_loop3A_184 = arith.addf %parallel_loop3A_180, %parallel_loop3A_183 : vector<16xf32>
        %parallel_loop3A_185 = arith.index_cast %parallel_loop3A_162 : i32 to index
        %parallel_loop3A_186 = arith.constant 48 : index
        %parallel_loop3A_187 = tpu.vector_load %arg9[%parallel_loop3A_185, %parallel_loop3A_186] {strides = array<i32>} : memref<128x128xf32, #tpu.memory_space<vmem>>, vector<16xf32>,
        %parallel_loop3A_188 = arith.index_cast %parallel_loop3A_163 : i32 to index
        %parallel_loop3A_189 = arith.constant 48 : index
        %parallel_loop3A_190 = tpu.vector_load %arg8[%parallel_loop3A_188, %parallel_loop3A_189] {strides = array<i32>} : memref<400x128xf32, #tpu.memory_space<vmem>>, vector<16xf32>,
        %parallel_loop3A_191 = arith.addf %parallel_loop3A_187, %parallel_loop3A_190 : vector<16xf32>
        %parallel_loop3A_192 = arith.index_cast %parallel_loop3A_162 : i32 to index
        %parallel_loop3A_193 = arith.constant 64 : index
        %parallel_loop3A_194 = tpu.vector_load %arg9[%parallel_loop3A_192, %parallel_loop3A_193] {strides = array<i32>} : memref<128x128xf32, #tpu.memory_space<vmem>>, vector<16xf32>,
        %parallel_loop3A_195 = arith.index_cast %parallel_loop3A_163 : i32 to index
        %parallel_loop3A_196 = arith.constant 64 : index
        %parallel_loop3A_197 = tpu.vector_load %arg8[%parallel_loop3A_195, %parallel_loop3A_196] {strides = array<i32>} : memref<400x128xf32, #tpu.memory_space<vmem>>, vector<16xf32>,
        %parallel_loop3A_198 = arith.addf %parallel_loop3A_194, %parallel_loop3A_197 : vector<16xf32>
        %parallel_loop3A_199 = arith.index_cast %parallel_loop3A_162 : i32 to index
        %parallel_loop3A_200 = arith.constant 80 : index
        %parallel_loop3A_201 = tpu.vector_load %arg9[%parallel_loop3A_199, %parallel_loop3A_200] {strides = array<i32>} : memref<128x128xf32, #tpu.memory_space<vmem>>, vector<16xf32>,
        %parallel_loop3A_202 = arith.index_cast %parallel_loop3A_163 : i32 to index
        %parallel_loop3A_203 = arith.constant 80 : index
        %parallel_loop3A_204 = tpu.vector_load %arg8[%parallel_loop3A_202, %parallel_loop3A_203] {strides = array<i32>} : memref<400x128xf32, #tpu.memory_space<vmem>>, vector<16xf32>,
        %parallel_loop3A_205 = arith.addf %parallel_loop3A_201, %parallel_loop3A_204 : vector<16xf32>
        %parallel_loop3A_206 = arith.index_cast %parallel_loop3A_162 : i32 to index
        %parallel_loop3A_207 = arith.constant 96 : index
        %parallel_loop3A_208 = tpu.vector_load %arg9[%parallel_loop3A_206, %parallel_loop3A_207] {strides = array<i32>} : memref<128x128xf32, #tpu.memory_space<vmem>>, vector<16xf32>,
        %parallel_loop3A_209 = arith.index_cast %parallel_loop3A_163 : i32 to index
        %parallel_loop3A_210 = arith.constant 96 : index
        %parallel_loop3A_211 = tpu.vector_load %arg8[%parallel_loop3A_209, %parallel_loop3A_210] {strides = array<i32>} : memref<400x128xf32, #tpu.memory_space<vmem>>, vector<16xf32>,
        %parallel_loop3A_212 = arith.addf %parallel_loop3A_208, %parallel_loop3A_211 : vector<16xf32>
        %parallel_loop3A_213 = arith.index_cast %parallel_loop3A_162 : i32 to index
        %parallel_loop3A_214 = arith.constant 112 : index
        %parallel_loop3A_215 = tpu.vector_load %arg9[%parallel_loop3A_213, %parallel_loop3A_214] {strides = array<i32>} : memref<128x128xf32, #tpu.memory_space<vmem>>, vector<16xf32>,
        %parallel_loop3A_216 = arith.index_cast %parallel_loop3A_163 : i32 to index
        %parallel_loop3A_217 = arith.constant 112 : index
        %parallel_loop3A_218 = tpu.vector_load %arg8[%parallel_loop3A_216, %parallel_loop3A_217] {strides = array<i32>} : memref<400x128xf32, #tpu.memory_space<vmem>>, vector<16xf32>,
        %parallel_loop3A_219 = arith.addf %parallel_loop3A_215, %parallel_loop3A_218 : vector<16xf32>
        %parallel_loop3A_220 = arith.addf %parallel_loop3A_170, %parallel_loop3A_177 : vector<16xf32>
        %parallel_loop3A_221 = arith.addf %parallel_loop3A_184, %parallel_loop3A_191 : vector<16xf32>
        %parallel_loop3A_222 = arith.addf %parallel_loop3A_198, %parallel_loop3A_205 : vector<16xf32>
        %parallel_loop3A_223 = arith.addf %parallel_loop3A_212, %parallel_loop3A_219 : vector<16xf32>
        %parallel_loop3A_224 = arith.addf %parallel_loop3A_220, %parallel_loop3A_221 : vector<16xf32>
        %parallel_loop3A_225 = arith.addf %parallel_loop3A_222, %parallel_loop3A_223 : vector<16xf32>
        %parallel_loop3A_226 = arith.addf %parallel_loop3A_224, %parallel_loop3A_225 : vector<16xf32>
        %parallel_loop3A_227 = arith.constant 8 : i32
        %parallel_loop3A_228 = vector.broadcast %parallel_loop3A_227 : i32 to vector<16xi32>
        %parallel_loop3A_229 = arith.xori %iota3A, %parallel_loop3A_228 : vector<16xi32>
        %parallel_loop3A_230 = vector.shape_cast %parallel_loop3A_229 : vector<16xi32> to vector<16x1xi32>
        %parallel_loop3A_231 = vector.shape_cast %parallel_loop3A_230 : vector<16x1xi32> to vector<16xi32>
        %parallel_loop3A_232 = tpu.dynamic_gather %parallel_loop3A_226[%parallel_loop3A_231] in [0] : vector<16xf32>, vector<16xi32> -> vector<16xf32>
        %parallel_loop3A_233 = arith.addf %parallel_loop3A_226, %parallel_loop3A_232 : vector<16xf32>
        %parallel_loop3A_234 = arith.constant 4 : i32
        %parallel_loop3A_235 = vector.broadcast %parallel_loop3A_234 : i32 to vector<16xi32>
        %parallel_loop3A_236 = arith.xori %iota3A, %parallel_loop3A_235 : vector<16xi32>
        %parallel_loop3A_237 = vector.shape_cast %parallel_loop3A_236 : vector<16xi32> to vector<16x1xi32>
        %parallel_loop3A_238 = vector.shape_cast %parallel_loop3A_237 : vector<16x1xi32> to vector<16xi32>
        %parallel_loop3A_239 = tpu.dynamic_gather %parallel_loop3A_233[%parallel_loop3A_238] in [0] : vector<16xf32>, vector<16xi32> -> vector<16xf32>
        %parallel_loop3A_240 = arith.addf %parallel_loop3A_233, %parallel_loop3A_239 : vector<16xf32>
        %parallel_loop3A_241 = arith.constant 2 : i32
        %parallel_loop3A_242 = vector.broadcast %parallel_loop3A_241 : i32 to vector<16xi32>
        %parallel_loop3A_243 = arith.xori %iota3A, %parallel_loop3A_242 : vector<16xi32>
        %parallel_loop3A_244 = vector.shape_cast %parallel_loop3A_243 : vector<16xi32> to vector<16x1xi32>
        %parallel_loop3A_245 = vector.shape_cast %parallel_loop3A_244 : vector<16x1xi32> to vector<16xi32>
        %parallel_loop3A_246 = tpu.dynamic_gather %parallel_loop3A_240[%parallel_loop3A_245] in [0] : vector<16xf32>, vector<16xi32> -> vector<16xf32>
        %parallel_loop3A_247 = arith.addf %parallel_loop3A_240, %parallel_loop3A_246 : vector<16xf32>
        %parallel_loop3A_248 = arith.constant 1 : i32
        %parallel_loop3A_249 = vector.broadcast %parallel_loop3A_248 : i32 to vector<16xi32>
        %parallel_loop3A_250 = arith.xori %iota3A, %parallel_loop3A_249 : vector<16xi32>
        %parallel_loop3A_251 = vector.shape_cast %parallel_loop3A_250 : vector<16xi32> to vector<16x1xi32>
        %parallel_loop3A_252 = vector.shape_cast %parallel_loop3A_251 : vector<16x1xi32> to vector<16xi32>
        %parallel_loop3A_253 = tpu.dynamic_gather %parallel_loop3A_247[%parallel_loop3A_252] in [0] : vector<16xf32>, vector<16xi32> -> vector<16xf32>
        %parallel_loop3A_254 = arith.addf %parallel_loop3A_247, %parallel_loop3A_253 : vector<16xf32>
        %parallel_loop3A_255 = arith.mulf %parallel_loop3A_170, %parallel_loop3A_170 : vector<16xf32>
        %parallel_loop3A_256 = arith.mulf %parallel_loop3A_177, %parallel_loop3A_177 : vector<16xf32>
        %parallel_loop3A_257 = arith.mulf %parallel_loop3A_184, %parallel_loop3A_184 : vector<16xf32>
        %parallel_loop3A_258 = arith.mulf %parallel_loop3A_191, %parallel_loop3A_191 : vector<16xf32>
        %parallel_loop3A_259 = arith.mulf %parallel_loop3A_198, %parallel_loop3A_198 : vector<16xf32>
        %parallel_loop3A_260 = arith.mulf %parallel_loop3A_205, %parallel_loop3A_205 : vector<16xf32>
        %parallel_loop3A_261 = arith.mulf %parallel_loop3A_212, %parallel_loop3A_212 : vector<16xf32>
        %parallel_loop3A_262 = arith.mulf %parallel_loop3A_219, %parallel_loop3A_219 : vector<16xf32>
        %parallel_loop3A_263 = arith.addf %parallel_loop3A_255, %parallel_loop3A_256 : vector<16xf32>
        %parallel_loop3A_264 = arith.addf %parallel_loop3A_257, %parallel_loop3A_258 : vector<16xf32>
        %parallel_loop3A_265 = arith.addf %parallel_loop3A_259, %parallel_loop3A_260 : vector<16xf32>
        %parallel_loop3A_266 = arith.addf %parallel_loop3A_261, %parallel_loop3A_262 : vector<16xf32>
        %parallel_loop3A_267 = arith.addf %parallel_loop3A_263, %parallel_loop3A_264 : vector<16xf32>
        %parallel_loop3A_268 = arith.addf %parallel_loop3A_265, %parallel_loop3A_266 : vector<16xf32>
        %parallel_loop3A_269 = arith.addf %parallel_loop3A_267, %parallel_loop3A_268 : vector<16xf32>
        %parallel_loop3A_270 = arith.constant 8 : i32
        %parallel_loop3A_271 = vector.broadcast %parallel_loop3A_270 : i32 to vector<16xi32>
        %parallel_loop3A_272 = arith.xori %iota3A, %parallel_loop3A_271 : vector<16xi32>
        %parallel_loop3A_273 = vector.shape_cast %parallel_loop3A_272 : vector<16xi32> to vector<16x1xi32>
        %parallel_loop3A_274 = vector.shape_cast %parallel_loop3A_273 : vector<16x1xi32> to vector<16xi32>
        %parallel_loop3A_275 = tpu.dynamic_gather %parallel_loop3A_269[%parallel_loop3A_274] in [0] : vector<16xf32>, vector<16xi32> -> vector<16xf32>
        %parallel_loop3A_276 = arith.addf %parallel_loop3A_269, %parallel_loop3A_275 : vector<16xf32>
        %parallel_loop3A_277 = arith.constant 4 : i32
        %parallel_loop3A_278 = vector.broadcast %parallel_loop3A_277 : i32 to vector<16xi32>
        %parallel_loop3A_279 = arith.xori %iota3A, %parallel_loop3A_278 : vector<16xi32>
        %parallel_loop3A_280 = vector.shape_cast %parallel_loop3A_279 : vector<16xi32> to vector<16x1xi32>
        %parallel_loop3A_281 = vector.shape_cast %parallel_loop3A_280 : vector<16x1xi32> to vector<16xi32>
        %parallel_loop3A_282 = tpu.dynamic_gather %parallel_loop3A_276[%parallel_loop3A_281] in [0] : vector<16xf32>, vector<16xi32> -> vector<16xf32>
        %parallel_loop3A_283 = arith.addf %parallel_loop3A_276, %parallel_loop3A_282 : vector<16xf32>
        %parallel_loop3A_284 = arith.constant 2 : i32
        %parallel_loop3A_285 = vector.broadcast %parallel_loop3A_284 : i32 to vector<16xi32>
        %parallel_loop3A_286 = arith.xori %iota3A, %parallel_loop3A_285 : vector<16xi32>
        %parallel_loop3A_287 = vector.shape_cast %parallel_loop3A_286 : vector<16xi32> to vector<16x1xi32>
        %parallel_loop3A_288 = vector.shape_cast %parallel_loop3A_287 : vector<16x1xi32> to vector<16xi32>
        %parallel_loop3A_289 = tpu.dynamic_gather %parallel_loop3A_283[%parallel_loop3A_288] in [0] : vector<16xf32>, vector<16xi32> -> vector<16xf32>
        %parallel_loop3A_290 = arith.addf %parallel_loop3A_283, %parallel_loop3A_289 : vector<16xf32>
        %parallel_loop3A_291 = arith.constant 1 : i32
        %parallel_loop3A_292 = vector.broadcast %parallel_loop3A_291 : i32 to vector<16xi32>
        %parallel_loop3A_293 = arith.xori %iota3A, %parallel_loop3A_292 : vector<16xi32>
        %parallel_loop3A_294 = vector.shape_cast %parallel_loop3A_293 : vector<16xi32> to vector<16x1xi32>
        %parallel_loop3A_295 = vector.shape_cast %parallel_loop3A_294 : vector<16x1xi32> to vector<16xi32>
        %parallel_loop3A_296 = tpu.dynamic_gather %parallel_loop3A_290[%parallel_loop3A_295] in [0] : vector<16xf32>, vector<16xi32> -> vector<16xf32>
        %parallel_loop3A_297 = arith.addf %parallel_loop3A_290, %parallel_loop3A_296 : vector<16xf32>
        %parallel_loop3A_298 = arith.constant 7.812500e-03 : f32
        %parallel_loop3A_299 = vector.broadcast %parallel_loop3A_298 : f32 to vector<16xf32>
        %parallel_loop3A_300 = arith.mulf %parallel_loop3A_254, %parallel_loop3A_299 : vector<16xf32>
        %parallel_loop3A_301 = arith.constant 7.812500e-03 : f32
        %parallel_loop3A_302 = vector.broadcast %parallel_loop3A_301 : f32 to vector<16xf32>
        %parallel_loop3A_303 = arith.mulf %parallel_loop3A_297, %parallel_loop3A_302 : vector<16xf32>
        %parallel_loop3A_304 = arith.mulf %parallel_loop3A_300, %parallel_loop3A_300 : vector<16xf32>
        %parallel_loop3A_305 = arith.subf %parallel_loop3A_303, %parallel_loop3A_304 : vector<16xf32>
        %parallel_loop3A_306 = arith.constant 9.99999996E-13 : f32
        %parallel_loop3A_307 = vector.broadcast %parallel_loop3A_306 : f32 to vector<16xf32>
        %parallel_loop3A_308 = arith.addf %parallel_loop3A_305, %parallel_loop3A_307 : vector<16xf32>
        %parallel_loop3A_309 = vector.bitcast %parallel_loop3A_308 : vector<16xf32> to vector<16xi32>
        %parallel_loop3A_310 = arith.constant 1 : i32
        %parallel_loop3A_311 = vector.broadcast %parallel_loop3A_310 : i32 to vector<16xi32>
        %parallel_loop3A_312 = arith.shrui %parallel_loop3A_309, %parallel_loop3A_311 : vector<16xi32>
        %parallel_loop3A_313 = arith.constant 1597463007 : i32
        %parallel_loop3A_314 = vector.broadcast %parallel_loop3A_313 : i32 to vector<16xi32>
        %parallel_loop3A_315 = arith.subi %parallel_loop3A_314, %parallel_loop3A_312 : vector<16xi32>
        %parallel_loop3A_316 = vector.bitcast %parallel_loop3A_315 : vector<16xi32> to vector<16xf32>
        %parallel_loop3A_317 = arith.constant 5.000000e-01 : f32
        %parallel_loop3A_318 = vector.broadcast %parallel_loop3A_317 : f32 to vector<16xf32>
        %parallel_loop3A_319 = arith.mulf %parallel_loop3A_318, %parallel_loop3A_308 : vector<16xf32>
        %parallel_loop3A_320 = arith.mulf %parallel_loop3A_319, %parallel_loop3A_316 : vector<16xf32>
        %parallel_loop3A_321 = arith.mulf %parallel_loop3A_320, %parallel_loop3A_316 : vector<16xf32>
        %parallel_loop3A_322 = arith.constant 1.500000e+00 : f32
        %parallel_loop3A_323 = vector.broadcast %parallel_loop3A_322 : f32 to vector<16xf32>
        %parallel_loop3A_324 = arith.subf %parallel_loop3A_323, %parallel_loop3A_321 : vector<16xf32>
        %parallel_loop3A_325 = arith.mulf %parallel_loop3A_316, %parallel_loop3A_324 : vector<16xf32>
        %parallel_loop3A_326 = arith.constant 5.000000e-01 : f32
        %parallel_loop3A_327 = vector.broadcast %parallel_loop3A_326 : f32 to vector<16xf32>
        %parallel_loop3A_328 = arith.mulf %parallel_loop3A_327, %parallel_loop3A_308 : vector<16xf32>
        %parallel_loop3A_329 = arith.mulf %parallel_loop3A_328, %parallel_loop3A_325 : vector<16xf32>
        %parallel_loop3A_330 = arith.mulf %parallel_loop3A_329, %parallel_loop3A_325 : vector<16xf32>
        %parallel_loop3A_331 = arith.constant 1.500000e+00 : f32
        %parallel_loop3A_332 = vector.broadcast %parallel_loop3A_331 : f32 to vector<16xf32>
        %parallel_loop3A_333 = arith.subf %parallel_loop3A_332, %parallel_loop3A_330 : vector<16xf32>
        %parallel_loop3A_334 = arith.mulf %parallel_loop3A_325, %parallel_loop3A_333 : vector<16xf32>
        %parallel_loop3A_335 = arith.constant 5.000000e-01 : f32
        %parallel_loop3A_336 = vector.broadcast %parallel_loop3A_335 : f32 to vector<16xf32>
        %parallel_loop3A_337 = arith.mulf %parallel_loop3A_336, %parallel_loop3A_308 : vector<16xf32>
        %parallel_loop3A_338 = arith.mulf %parallel_loop3A_337, %parallel_loop3A_334 : vector<16xf32>
        %parallel_loop3A_339 = arith.mulf %parallel_loop3A_338, %parallel_loop3A_334 : vector<16xf32>
        %parallel_loop3A_340 = arith.constant 1.500000e+00 : f32
        %parallel_loop3A_341 = vector.broadcast %parallel_loop3A_340 : f32 to vector<16xf32>
        %parallel_loop3A_342 = arith.subf %parallel_loop3A_341, %parallel_loop3A_339 : vector<16xf32>
        %parallel_loop3A_343 = arith.mulf %parallel_loop3A_334, %parallel_loop3A_342 : vector<16xf32>
        %parallel_loop3A_344 = arith.mulf %parallel_loop3A_343, %get3A_5 : vector<16xf32>
        %parallel_loop3A_345 = arith.mulf %parallel_loop3A_300, %parallel_loop3A_344 : vector<16xf32>
        %parallel_loop3A_346 = arith.subf %get3A_37, %parallel_loop3A_345 : vector<16xf32>
        %parallel_loop3A_347 = arith.mulf %parallel_loop3A_170, %parallel_loop3A_344 : vector<16xf32>
        %parallel_loop3A_348 = arith.addf %parallel_loop3A_347, %parallel_loop3A_346 : vector<16xf32>
        %parallel_loop3A_349 = arith.index_cast %parallel_loop3A_162 : i32 to index
        %parallel_loop3A_350 = arith.constant 0 : index
        %parallel_loop3A_351 = tpu.vector_load %arg11[%parallel_loop3A_349, %parallel_loop3A_350] {strides = array<i32>} : memref<128x128xf32, #tpu.memory_space<vmem>>, vector<16xf32>,
        tpu.vector_store %arg11[%parallel_loop3A_349, %parallel_loop3A_350], %parallel_loop3A_348 {strides = array<i32>} : memref<128x128xf32, #tpu.memory_space<vmem>>, vector<16xf32>,
        %parallel_loop3A_352 = arith.mulf %parallel_loop3A_343, %get3A_9 : vector<16xf32>
        %parallel_loop3A_353 = arith.mulf %parallel_loop3A_300, %parallel_loop3A_352 : vector<16xf32>
        %parallel_loop3A_354 = arith.subf %get3A_41, %parallel_loop3A_353 : vector<16xf32>
        %parallel_loop3A_355 = arith.mulf %parallel_loop3A_177, %parallel_loop3A_352 : vector<16xf32>
        %parallel_loop3A_356 = arith.addf %parallel_loop3A_355, %parallel_loop3A_354 : vector<16xf32>
        %parallel_loop3A_357 = arith.index_cast %parallel_loop3A_162 : i32 to index
        %parallel_loop3A_358 = arith.constant 16 : index
        %parallel_loop3A_359 = tpu.vector_load %arg11[%parallel_loop3A_357, %parallel_loop3A_358] {strides = array<i32>} : memref<128x128xf32, #tpu.memory_space<vmem>>, vector<16xf32>,
        tpu.vector_store %arg11[%parallel_loop3A_357, %parallel_loop3A_358], %parallel_loop3A_356 {strides = array<i32>} : memref<128x128xf32, #tpu.memory_space<vmem>>, vector<16xf32>,
        %parallel_loop3A_360 = arith.mulf %parallel_loop3A_343, %get3A_13 : vector<16xf32>
        %parallel_loop3A_361 = arith.mulf %parallel_loop3A_300, %parallel_loop3A_360 : vector<16xf32>
        %parallel_loop3A_362 = arith.subf %get3A_45, %parallel_loop3A_361 : vector<16xf32>
        %parallel_loop3A_363 = arith.mulf %parallel_loop3A_184, %parallel_loop3A_360 : vector<16xf32>
        %parallel_loop3A_364 = arith.addf %parallel_loop3A_363, %parallel_loop3A_362 : vector<16xf32>
        %parallel_loop3A_365 = arith.index_cast %parallel_loop3A_162 : i32 to index
        %parallel_loop3A_366 = arith.constant 32 : index
        %parallel_loop3A_367 = tpu.vector_load %arg11[%parallel_loop3A_365, %parallel_loop3A_366] {strides = array<i32>} : memref<128x128xf32, #tpu.memory_space<vmem>>, vector<16xf32>,
        tpu.vector_store %arg11[%parallel_loop3A_365, %parallel_loop3A_366], %parallel_loop3A_364 {strides = array<i32>} : memref<128x128xf32, #tpu.memory_space<vmem>>, vector<16xf32>,
        %parallel_loop3A_368 = arith.mulf %parallel_loop3A_343, %get3A_17 : vector<16xf32>
        %parallel_loop3A_369 = arith.mulf %parallel_loop3A_300, %parallel_loop3A_368 : vector<16xf32>
        %parallel_loop3A_370 = arith.subf %get3A_49, %parallel_loop3A_369 : vector<16xf32>
        %parallel_loop3A_371 = arith.mulf %parallel_loop3A_191, %parallel_loop3A_368 : vector<16xf32>
        %parallel_loop3A_372 = arith.addf %parallel_loop3A_371, %parallel_loop3A_370 : vector<16xf32>
        %parallel_loop3A_373 = arith.index_cast %parallel_loop3A_162 : i32 to index
        %parallel_loop3A_374 = arith.constant 48 : index
        %parallel_loop3A_375 = tpu.vector_load %arg11[%parallel_loop3A_373, %parallel_loop3A_374] {strides = array<i32>} : memref<128x128xf32, #tpu.memory_space<vmem>>, vector<16xf32>,
        tpu.vector_store %arg11[%parallel_loop3A_373, %parallel_loop3A_374], %parallel_loop3A_372 {strides = array<i32>} : memref<128x128xf32, #tpu.memory_space<vmem>>, vector<16xf32>,
        %parallel_loop3A_376 = arith.mulf %parallel_loop3A_343, %get3A_21 : vector<16xf32>
        %parallel_loop3A_377 = arith.mulf %parallel_loop3A_300, %parallel_loop3A_376 : vector<16xf32>
        %parallel_loop3A_378 = arith.subf %get3A_53, %parallel_loop3A_377 : vector<16xf32>
        %parallel_loop3A_379 = arith.mulf %parallel_loop3A_198, %parallel_loop3A_376 : vector<16xf32>
        %parallel_loop3A_380 = arith.addf %parallel_loop3A_379, %parallel_loop3A_378 : vector<16xf32>
        %parallel_loop3A_381 = arith.index_cast %parallel_loop3A_162 : i32 to index
        %parallel_loop3A_382 = arith.constant 64 : index
        %parallel_loop3A_383 = tpu.vector_load %arg11[%parallel_loop3A_381, %parallel_loop3A_382] {strides = array<i32>} : memref<128x128xf32, #tpu.memory_space<vmem>>, vector<16xf32>,
        tpu.vector_store %arg11[%parallel_loop3A_381, %parallel_loop3A_382], %parallel_loop3A_380 {strides = array<i32>} : memref<128x128xf32, #tpu.memory_space<vmem>>, vector<16xf32>,
        %parallel_loop3A_384 = arith.mulf %parallel_loop3A_343, %get3A_25 : vector<16xf32>
        %parallel_loop3A_385 = arith.mulf %parallel_loop3A_300, %parallel_loop3A_384 : vector<16xf32>
        %parallel_loop3A_386 = arith.subf %get3A_57, %parallel_loop3A_385 : vector<16xf32>
        %parallel_loop3A_387 = arith.mulf %parallel_loop3A_205, %parallel_loop3A_384 : vector<16xf32>
        %parallel_loop3A_388 = arith.addf %parallel_loop3A_387, %parallel_loop3A_386 : vector<16xf32>
        %parallel_loop3A_389 = arith.index_cast %parallel_loop3A_162 : i32 to index
        %parallel_loop3A_390 = arith.constant 80 : index
        %parallel_loop3A_391 = tpu.vector_load %arg11[%parallel_loop3A_389, %parallel_loop3A_390] {strides = array<i32>} : memref<128x128xf32, #tpu.memory_space<vmem>>, vector<16xf32>,
        tpu.vector_store %arg11[%parallel_loop3A_389, %parallel_loop3A_390], %parallel_loop3A_388 {strides = array<i32>} : memref<128x128xf32, #tpu.memory_space<vmem>>, vector<16xf32>,
        %parallel_loop3A_392 = arith.mulf %parallel_loop3A_343, %get3A_29 : vector<16xf32>
        %parallel_loop3A_393 = arith.mulf %parallel_loop3A_300, %parallel_loop3A_392 : vector<16xf32>
        %parallel_loop3A_394 = arith.subf %get3A_61, %parallel_loop3A_393 : vector<16xf32>
        %parallel_loop3A_395 = arith.mulf %parallel_loop3A_212, %parallel_loop3A_392 : vector<16xf32>
        %parallel_loop3A_396 = arith.addf %parallel_loop3A_395, %parallel_loop3A_394 : vector<16xf32>
        %parallel_loop3A_397 = arith.index_cast %parallel_loop3A_162 : i32 to index
        %parallel_loop3A_398 = arith.constant 96 : index
        %parallel_loop3A_399 = tpu.vector_load %arg11[%parallel_loop3A_397, %parallel_loop3A_398] {strides = array<i32>} : memref<128x128xf32, #tpu.memory_space<vmem>>, vector<16xf32>,
        tpu.vector_store %arg11[%parallel_loop3A_397, %parallel_loop3A_398], %parallel_loop3A_396 {strides = array<i32>} : memref<128x128xf32, #tpu.memory_space<vmem>>, vector<16xf32>,
        %parallel_loop3A_400 = arith.mulf %parallel_loop3A_343, %get3A_33 : vector<16xf32>
        %parallel_loop3A_401 = arith.mulf %parallel_loop3A_300, %parallel_loop3A_400 : vector<16xf32>
        %parallel_loop3A_402 = arith.subf %get3A_65, %parallel_loop3A_401 : vector<16xf32>
        %parallel_loop3A_403 = arith.mulf %parallel_loop3A_219, %parallel_loop3A_400 : vector<16xf32>
        %parallel_loop3A_404 = arith.addf %parallel_loop3A_403, %parallel_loop3A_402 : vector<16xf32>
        %parallel_loop3A_405 = arith.index_cast %parallel_loop3A_162 : i32 to index
        %parallel_loop3A_406 = arith.constant 112 : index
        %parallel_loop3A_407 = tpu.vector_load %arg11[%parallel_loop3A_405, %parallel_loop3A_406] {strides = array<i32>} : memref<128x128xf32, #tpu.memory_space<vmem>>, vector<16xf32>,
        tpu.vector_store %arg11[%parallel_loop3A_405, %parallel_loop3A_406], %parallel_loop3A_404 {strides = array<i32>} : memref<128x128xf32, #tpu.memory_space<vmem>>, vector<16xf32>,
      } {sc.loop_unroll_factor = 4 : i64, sc.parallel_access}
      %mul3A_113 = arith.constant 128 : i32
      %mul3A_114 = arith.muli %add3A_99, %mul3A_113 : i32
      %add3A_115 = arith.addi %mul3A_2, %mul3A_114 : i32
      %dma_start3A_116 = arith.constant 0 : i32
      %dma_start3A_117 = tpu.memref_slice %arg6[%add3A_115, %dma_start3A_116] : memref<204800x128xf32, #tpu.memory_space<hbm>> -> memref<128x128xf32, #tpu.memory_space<hbm>>
      %dma_start3A_118 = arith.constant 0 : i32
      %dma_start3A_119 = tpu.memref_slice %arg6[%add3A_115, %dma_start3A_118] : memref<204800x128xf32, #tpu.memory_space<hbm>> -> memref<128x128xf32, #tpu.memory_space<hbm>>
      tpu.enqueue_dma source(%arg11 : memref<128x128xf32, #tpu.memory_space<vmem>>) target(%dma_start3A_119 : memref<128x128xf32, #tpu.memory_space<hbm>>) target_semaphore(%arg16 : memref<!tpu.dma_semaphore, #tpu.memory_space<semaphore_mem>>)
      %add3A_120 = arith.constant 2 : i32
      %add3A_121 = arith.addi %add3A_99, %add3A_120 : i32
      %lt3A = arith.constant 50 : i32
      %lt3A_122 = arith.cmpi slt, %add3A_121, %lt3A : i32
      %convert_element_type3A_123 = arith.extui %lt3A_122 : i1 to i32
      %cond3A_124 = arith.constant 0 : i32
      %cond3A_125 = arith.cmpi ne, %convert_element_type3A_123, %cond3A_124 : i32
      scf.if %cond3A_125 {
        %add3A_162 = arith.constant 2 : i32
        %add3A_163 = arith.addi %add3A_99, %add3A_162 : i32
        %dma_start3A_164 = arith.constant 0 : i32
        %dma_start3A_165 = tpu.memref_slice %arg7[%add3A_163, %dma_start3A_164] : memref<50x128xi32, #tpu.memory_space<vmem>> -> memref<1x128xi32, #tpu.memory_space<vmem>>
        %dma_start3A_166 = tpu.memref_squeeze %dma_start3A_165 : memref<1x128xi32, #tpu.memory_space<vmem>> -> memref<128xi32, #tpu.memory_space<vmem>>
        %dma_start3A_167 = arith.constant 0 : i32
        %dma_start3A_168 = arith.constant 0 : i32
        %dma_start3A_169 = tpu.memref_slice %arg3[%dma_start3A_167, %dma_start3A_168] : memref<100000x128xf32, #tpu.memory_space<hbm>> -> memref<100000x128xf32, #tpu.memory_space<hbm>>
        tpu.enqueue_indirect_dma source(%dma_start3A_169 : memref<100000x128xf32, #tpu.memory_space<hbm>>) target(%arg9 : memref<128x128xf32, #tpu.memory_space<vmem>>) offsets(%dma_start3A_166 : memref<128xi32, #tpu.memory_space<vmem>>) semaphore(%arg14 : memref<!tpu.dma_semaphore, #tpu.memory_space<semaphore_mem>>)
      } else {
      }
      %mul3A_126 = arith.constant 2 : i32
      %mul3A_127 = arith.muli %mul3A_126, %scan3A_95 : i32
      %add3A_128 = arith.constant 1 : i32
      %add3A_129 = arith.addi %mul3A_127, %add3A_128 : i32
      %dma_wait3A_130 = arith.constant 0 : i32
      %dma_wait3A_131 = tpu.memref_slice %arg7[%add3A_129, %dma_wait3A_130] : memref<50x128xi32, #tpu.memory_space<vmem>> -> memref<1x128xi32, #tpu.memory_space<vmem>>
      %dma_wait3A_132 = tpu.memref_squeeze %dma_wait3A_131 : memref<1x128xi32, #tpu.memory_space<vmem>> -> memref<128xi32, #tpu.memory_space<vmem>>
      %dma_wait3A_133 = arith.constant 0 : i32
      %dma_wait3A_134 = arith.constant 0 : i32
      %dma_wait3A_135 = tpu.memref_slice %arg3[%dma_wait3A_133, %dma_wait3A_134] : memref<100000x128xf32, #tpu.memory_space<hbm>> -> memref<100000x128xf32, #tpu.memory_space<hbm>>
      tpu.wait_indirect_dma semaphore(%arg15 : memref<!tpu.dma_semaphore, #tpu.memory_space<semaphore_mem>>) src(%dma_wait3A_135 : memref<100000x128xf32, #tpu.memory_space<hbm>>) dst(%arg10 : memref<128x128xf32, #tpu.memory_space<vmem>>)
      %ge3A_136 = arith.constant 2 : i32
      %ge3A_137 = arith.cmpi sge, %add3A_129, %ge3A_136 : i32
      %convert_element_type3A_138 = arith.extui %ge3A_137 : i1 to i32
      %cond3A_139 = arith.constant 0 : i32
      %cond3A_140 = arith.cmpi ne, %convert_element_type3A_138, %cond3A_139 : i32
      scf.if %cond3A_140 {
        %sub3A = arith.constant 2 : i32
        %sub3A_162 = arith.subi %add3A_129, %sub3A : i32
        %mul3A_163 = arith.constant 128 : i32
        %mul3A_164 = arith.muli %sub3A_162, %mul3A_163 : i32
        %add3A_165 = arith.addi %mul3A_2, %mul3A_164 : i32
        %dma_wait3A_166 = arith.constant 0 : i32
        %dma_wait3A_167 = tpu.memref_slice %arg6[%add3A_165, %dma_wait3A_166] : memref<204800x128xf32, #tpu.memory_space<hbm>> -> memref<128x128xf32, #tpu.memory_space<hbm>>
        %dma_wait3A_168 = arith.constant 0 : i32
        %dma_wait3A_169 = tpu.memref_slice %arg6[%add3A_165, %dma_wait3A_168] : memref<204800x128xf32, #tpu.memory_space<hbm>> -> memref<128x128xf32, #tpu.memory_space<hbm>>
        tpu.wait_dma2 semaphore(%arg17 : memref<!tpu.dma_semaphore, #tpu.memory_space<semaphore_mem>>) src(%arg12 : memref<128x128xf32, #tpu.memory_space<vmem>>) dst(%dma_wait3A_169 : memref<128x128xf32, #tpu.memory_space<hbm>>)
      } else {
      }
      %mul3A_141 = arith.constant 128 : i32
      %mul3A_142 = arith.muli %add3A_129, %mul3A_141 : i32
      %rem3A_143 = arith.constant 200 : i32
      %rem3A_144 = arith.remsi %mul3A_142, %rem3A_143 : i32
      %parallel_loop3A_145 = arith.constant 0 : i32
      %parallel_loop3A_146 = arith.constant 128 : i32
      %parallel_loop3A_147 = arith.constant 1 : i32
      scf.for %parallel_loop3A_162 = %parallel_loop3A_145 to %parallel_loop3A_146 step %parallel_loop3A_147  : i32 {
        %parallel_loop3A_163 = arith.addi %rem3A_144, %parallel_loop3A_162 : i32
        %parallel_loop3A_164 = arith.index_cast %parallel_loop3A_162 : i32 to index
        %parallel_loop3A_165 = arith.constant 0 : index
        %parallel_loop3A_166 = tpu.vector_load %arg10[%parallel_loop3A_164, %parallel_loop3A_165] {strides = array<i32>} : memref<128x128xf32, #tpu.memory_space<vmem>>, vector<16xf32>,
        %parallel_loop3A_167 = arith.index_cast %parallel_loop3A_163 : i32 to index
        %parallel_loop3A_168 = arith.constant 0 : index
        %parallel_loop3A_169 = tpu.vector_load %arg8[%parallel_loop3A_167, %parallel_loop3A_168] {strides = array<i32>} : memref<400x128xf32, #tpu.memory_space<vmem>>, vector<16xf32>,
        %parallel_loop3A_170 = arith.addf %parallel_loop3A_166, %parallel_loop3A_169 : vector<16xf32>
        %parallel_loop3A_171 = arith.index_cast %parallel_loop3A_162 : i32 to index
        %parallel_loop3A_172 = arith.constant 16 : index
        %parallel_loop3A_173 = tpu.vector_load %arg10[%parallel_loop3A_171, %parallel_loop3A_172] {strides = array<i32>} : memref<128x128xf32, #tpu.memory_space<vmem>>, vector<16xf32>,
        %parallel_loop3A_174 = arith.index_cast %parallel_loop3A_163 : i32 to index
        %parallel_loop3A_175 = arith.constant 16 : index
        %parallel_loop3A_176 = tpu.vector_load %arg8[%parallel_loop3A_174, %parallel_loop3A_175] {strides = array<i32>} : memref<400x128xf32, #tpu.memory_space<vmem>>, vector<16xf32>,
        %parallel_loop3A_177 = arith.addf %parallel_loop3A_173, %parallel_loop3A_176 : vector<16xf32>
        %parallel_loop3A_178 = arith.index_cast %parallel_loop3A_162 : i32 to index
        %parallel_loop3A_179 = arith.constant 32 : index
        %parallel_loop3A_180 = tpu.vector_load %arg10[%parallel_loop3A_178, %parallel_loop3A_179] {strides = array<i32>} : memref<128x128xf32, #tpu.memory_space<vmem>>, vector<16xf32>,
        %parallel_loop3A_181 = arith.index_cast %parallel_loop3A_163 : i32 to index
        %parallel_loop3A_182 = arith.constant 32 : index
        %parallel_loop3A_183 = tpu.vector_load %arg8[%parallel_loop3A_181, %parallel_loop3A_182] {strides = array<i32>} : memref<400x128xf32, #tpu.memory_space<vmem>>, vector<16xf32>,
        %parallel_loop3A_184 = arith.addf %parallel_loop3A_180, %parallel_loop3A_183 : vector<16xf32>
        %parallel_loop3A_185 = arith.index_cast %parallel_loop3A_162 : i32 to index
        %parallel_loop3A_186 = arith.constant 48 : index
        %parallel_loop3A_187 = tpu.vector_load %arg10[%parallel_loop3A_185, %parallel_loop3A_186] {strides = array<i32>} : memref<128x128xf32, #tpu.memory_space<vmem>>, vector<16xf32>,
        %parallel_loop3A_188 = arith.index_cast %parallel_loop3A_163 : i32 to index
        %parallel_loop3A_189 = arith.constant 48 : index
        %parallel_loop3A_190 = tpu.vector_load %arg8[%parallel_loop3A_188, %parallel_loop3A_189] {strides = array<i32>} : memref<400x128xf32, #tpu.memory_space<vmem>>, vector<16xf32>,
        %parallel_loop3A_191 = arith.addf %parallel_loop3A_187, %parallel_loop3A_190 : vector<16xf32>
        %parallel_loop3A_192 = arith.index_cast %parallel_loop3A_162 : i32 to index
        %parallel_loop3A_193 = arith.constant 64 : index
        %parallel_loop3A_194 = tpu.vector_load %arg10[%parallel_loop3A_192, %parallel_loop3A_193] {strides = array<i32>} : memref<128x128xf32, #tpu.memory_space<vmem>>, vector<16xf32>,
        %parallel_loop3A_195 = arith.index_cast %parallel_loop3A_163 : i32 to index
        %parallel_loop3A_196 = arith.constant 64 : index
        %parallel_loop3A_197 = tpu.vector_load %arg8[%parallel_loop3A_195, %parallel_loop3A_196] {strides = array<i32>} : memref<400x128xf32, #tpu.memory_space<vmem>>, vector<16xf32>,
        %parallel_loop3A_198 = arith.addf %parallel_loop3A_194, %parallel_loop3A_197 : vector<16xf32>
        %parallel_loop3A_199 = arith.index_cast %parallel_loop3A_162 : i32 to index
        %parallel_loop3A_200 = arith.constant 80 : index
        %parallel_loop3A_201 = tpu.vector_load %arg10[%parallel_loop3A_199, %parallel_loop3A_200] {strides = array<i32>} : memref<128x128xf32, #tpu.memory_space<vmem>>, vector<16xf32>,
        %parallel_loop3A_202 = arith.index_cast %parallel_loop3A_163 : i32 to index
        %parallel_loop3A_203 = arith.constant 80 : index
        %parallel_loop3A_204 = tpu.vector_load %arg8[%parallel_loop3A_202, %parallel_loop3A_203] {strides = array<i32>} : memref<400x128xf32, #tpu.memory_space<vmem>>, vector<16xf32>,
        %parallel_loop3A_205 = arith.addf %parallel_loop3A_201, %parallel_loop3A_204 : vector<16xf32>
        %parallel_loop3A_206 = arith.index_cast %parallel_loop3A_162 : i32 to index
        %parallel_loop3A_207 = arith.constant 96 : index
        %parallel_loop3A_208 = tpu.vector_load %arg10[%parallel_loop3A_206, %parallel_loop3A_207] {strides = array<i32>} : memref<128x128xf32, #tpu.memory_space<vmem>>, vector<16xf32>,
        %parallel_loop3A_209 = arith.index_cast %parallel_loop3A_163 : i32 to index
        %parallel_loop3A_210 = arith.constant 96 : index
        %parallel_loop3A_211 = tpu.vector_load %arg8[%parallel_loop3A_209, %parallel_loop3A_210] {strides = array<i32>} : memref<400x128xf32, #tpu.memory_space<vmem>>, vector<16xf32>,
        %parallel_loop3A_212 = arith.addf %parallel_loop3A_208, %parallel_loop3A_211 : vector<16xf32>
        %parallel_loop3A_213 = arith.index_cast %parallel_loop3A_162 : i32 to index
        %parallel_loop3A_214 = arith.constant 112 : index
        %parallel_loop3A_215 = tpu.vector_load %arg10[%parallel_loop3A_213, %parallel_loop3A_214] {strides = array<i32>} : memref<128x128xf32, #tpu.memory_space<vmem>>, vector<16xf32>,
        %parallel_loop3A_216 = arith.index_cast %parallel_loop3A_163 : i32 to index
        %parallel_loop3A_217 = arith.constant 112 : index
        %parallel_loop3A_218 = tpu.vector_load %arg8[%parallel_loop3A_216, %parallel_loop3A_217] {strides = array<i32>} : memref<400x128xf32, #tpu.memory_space<vmem>>, vector<16xf32>,
        %parallel_loop3A_219 = arith.addf %parallel_loop3A_215, %parallel_loop3A_218 : vector<16xf32>
        %parallel_loop3A_220 = arith.addf %parallel_loop3A_170, %parallel_loop3A_177 : vector<16xf32>
        %parallel_loop3A_221 = arith.addf %parallel_loop3A_184, %parallel_loop3A_191 : vector<16xf32>
        %parallel_loop3A_222 = arith.addf %parallel_loop3A_198, %parallel_loop3A_205 : vector<16xf32>
        %parallel_loop3A_223 = arith.addf %parallel_loop3A_212, %parallel_loop3A_219 : vector<16xf32>
        %parallel_loop3A_224 = arith.addf %parallel_loop3A_220, %parallel_loop3A_221 : vector<16xf32>
        %parallel_loop3A_225 = arith.addf %parallel_loop3A_222, %parallel_loop3A_223 : vector<16xf32>
        %parallel_loop3A_226 = arith.addf %parallel_loop3A_224, %parallel_loop3A_225 : vector<16xf32>
        %parallel_loop3A_227 = arith.constant 8 : i32
        %parallel_loop3A_228 = vector.broadcast %parallel_loop3A_227 : i32 to vector<16xi32>
        %parallel_loop3A_229 = arith.xori %iota3A, %parallel_loop3A_228 : vector<16xi32>
        %parallel_loop3A_230 = vector.shape_cast %parallel_loop3A_229 : vector<16xi32> to vector<16x1xi32>
        %parallel_loop3A_231 = vector.shape_cast %parallel_loop3A_230 : vector<16x1xi32> to vector<16xi32>
        %parallel_loop3A_232 = tpu.dynamic_gather %parallel_loop3A_226[%parallel_loop3A_231] in [0] : vector<16xf32>, vector<16xi32> -> vector<16xf32>
        %parallel_loop3A_233 = arith.addf %parallel_loop3A_226, %parallel_loop3A_232 : vector<16xf32>
        %parallel_loop3A_234 = arith.constant 4 : i32
        %parallel_loop3A_235 = vector.broadcast %parallel_loop3A_234 : i32 to vector<16xi32>
        %parallel_loop3A_236 = arith.xori %iota3A, %parallel_loop3A_235 : vector<16xi32>
        %parallel_loop3A_237 = vector.shape_cast %parallel_loop3A_236 : vector<16xi32> to vector<16x1xi32>
        %parallel_loop3A_238 = vector.shape_cast %parallel_loop3A_237 : vector<16x1xi32> to vector<16xi32>
        %parallel_loop3A_239 = tpu.dynamic_gather %parallel_loop3A_233[%parallel_loop3A_238] in [0] : vector<16xf32>, vector<16xi32> -> vector<16xf32>
        %parallel_loop3A_240 = arith.addf %parallel_loop3A_233, %parallel_loop3A_239 : vector<16xf32>
        %parallel_loop3A_241 = arith.constant 2 : i32
        %parallel_loop3A_242 = vector.broadcast %parallel_loop3A_241 : i32 to vector<16xi32>
        %parallel_loop3A_243 = arith.xori %iota3A, %parallel_loop3A_242 : vector<16xi32>
        %parallel_loop3A_244 = vector.shape_cast %parallel_loop3A_243 : vector<16xi32> to vector<16x1xi32>
        %parallel_loop3A_245 = vector.shape_cast %parallel_loop3A_244 : vector<16x1xi32> to vector<16xi32>
        %parallel_loop3A_246 = tpu.dynamic_gather %parallel_loop3A_240[%parallel_loop3A_245] in [0] : vector<16xf32>, vector<16xi32> -> vector<16xf32>
        %parallel_loop3A_247 = arith.addf %parallel_loop3A_240, %parallel_loop3A_246 : vector<16xf32>
        %parallel_loop3A_248 = arith.constant 1 : i32
        %parallel_loop3A_249 = vector.broadcast %parallel_loop3A_248 : i32 to vector<16xi32>
        %parallel_loop3A_250 = arith.xori %iota3A, %parallel_loop3A_249 : vector<16xi32>
        %parallel_loop3A_251 = vector.shape_cast %parallel_loop3A_250 : vector<16xi32> to vector<16x1xi32>
        %parallel_loop3A_252 = vector.shape_cast %parallel_loop3A_251 : vector<16x1xi32> to vector<16xi32>
        %parallel_loop3A_253 = tpu.dynamic_gather %parallel_loop3A_247[%parallel_loop3A_252] in [0] : vector<16xf32>, vector<16xi32> -> vector<16xf32>
        %parallel_loop3A_254 = arith.addf %parallel_loop3A_247, %parallel_loop3A_253 : vector<16xf32>
        %parallel_loop3A_255 = arith.mulf %parallel_loop3A_170, %parallel_loop3A_170 : vector<16xf32>
        %parallel_loop3A_256 = arith.mulf %parallel_loop3A_177, %parallel_loop3A_177 : vector<16xf32>
        %parallel_loop3A_257 = arith.mulf %parallel_loop3A_184, %parallel_loop3A_184 : vector<16xf32>
        %parallel_loop3A_258 = arith.mulf %parallel_loop3A_191, %parallel_loop3A_191 : vector<16xf32>
        %parallel_loop3A_259 = arith.mulf %parallel_loop3A_198, %parallel_loop3A_198 : vector<16xf32>
        %parallel_loop3A_260 = arith.mulf %parallel_loop3A_205, %parallel_loop3A_205 : vector<16xf32>
        %parallel_loop3A_261 = arith.mulf %parallel_loop3A_212, %parallel_loop3A_212 : vector<16xf32>
        %parallel_loop3A_262 = arith.mulf %parallel_loop3A_219, %parallel_loop3A_219 : vector<16xf32>
        %parallel_loop3A_263 = arith.addf %parallel_loop3A_255, %parallel_loop3A_256 : vector<16xf32>
        %parallel_loop3A_264 = arith.addf %parallel_loop3A_257, %parallel_loop3A_258 : vector<16xf32>
        %parallel_loop3A_265 = arith.addf %parallel_loop3A_259, %parallel_loop3A_260 : vector<16xf32>
        %parallel_loop3A_266 = arith.addf %parallel_loop3A_261, %parallel_loop3A_262 : vector<16xf32>
        %parallel_loop3A_267 = arith.addf %parallel_loop3A_263, %parallel_loop3A_264 : vector<16xf32>
        %parallel_loop3A_268 = arith.addf %parallel_loop3A_265, %parallel_loop3A_266 : vector<16xf32>
        %parallel_loop3A_269 = arith.addf %parallel_loop3A_267, %parallel_loop3A_268 : vector<16xf32>
        %parallel_loop3A_270 = arith.constant 8 : i32
        %parallel_loop3A_271 = vector.broadcast %parallel_loop3A_270 : i32 to vector<16xi32>
        %parallel_loop3A_272 = arith.xori %iota3A, %parallel_loop3A_271 : vector<16xi32>
        %parallel_loop3A_273 = vector.shape_cast %parallel_loop3A_272 : vector<16xi32> to vector<16x1xi32>
        %parallel_loop3A_274 = vector.shape_cast %parallel_loop3A_273 : vector<16x1xi32> to vector<16xi32>
        %parallel_loop3A_275 = tpu.dynamic_gather %parallel_loop3A_269[%parallel_loop3A_274] in [0] : vector<16xf32>, vector<16xi32> -> vector<16xf32>
        %parallel_loop3A_276 = arith.addf %parallel_loop3A_269, %parallel_loop3A_275 : vector<16xf32>
        %parallel_loop3A_277 = arith.constant 4 : i32
        %parallel_loop3A_278 = vector.broadcast %parallel_loop3A_277 : i32 to vector<16xi32>
        %parallel_loop3A_279 = arith.xori %iota3A, %parallel_loop3A_278 : vector<16xi32>
        %parallel_loop3A_280 = vector.shape_cast %parallel_loop3A_279 : vector<16xi32> to vector<16x1xi32>
        %parallel_loop3A_281 = vector.shape_cast %parallel_loop3A_280 : vector<16x1xi32> to vector<16xi32>
        %parallel_loop3A_282 = tpu.dynamic_gather %parallel_loop3A_276[%parallel_loop3A_281] in [0] : vector<16xf32>, vector<16xi32> -> vector<16xf32>
        %parallel_loop3A_283 = arith.addf %parallel_loop3A_276, %parallel_loop3A_282 : vector<16xf32>
        %parallel_loop3A_284 = arith.constant 2 : i32
        %parallel_loop3A_285 = vector.broadcast %parallel_loop3A_284 : i32 to vector<16xi32>
        %parallel_loop3A_286 = arith.xori %iota3A, %parallel_loop3A_285 : vector<16xi32>
        %parallel_loop3A_287 = vector.shape_cast %parallel_loop3A_286 : vector<16xi32> to vector<16x1xi32>
        %parallel_loop3A_288 = vector.shape_cast %parallel_loop3A_287 : vector<16x1xi32> to vector<16xi32>
        %parallel_loop3A_289 = tpu.dynamic_gather %parallel_loop3A_283[%parallel_loop3A_288] in [0] : vector<16xf32>, vector<16xi32> -> vector<16xf32>
        %parallel_loop3A_290 = arith.addf %parallel_loop3A_283, %parallel_loop3A_289 : vector<16xf32>
        %parallel_loop3A_291 = arith.constant 1 : i32
        %parallel_loop3A_292 = vector.broadcast %parallel_loop3A_291 : i32 to vector<16xi32>
        %parallel_loop3A_293 = arith.xori %iota3A, %parallel_loop3A_292 : vector<16xi32>
        %parallel_loop3A_294 = vector.shape_cast %parallel_loop3A_293 : vector<16xi32> to vector<16x1xi32>
        %parallel_loop3A_295 = vector.shape_cast %parallel_loop3A_294 : vector<16x1xi32> to vector<16xi32>
        %parallel_loop3A_296 = tpu.dynamic_gather %parallel_loop3A_290[%parallel_loop3A_295] in [0] : vector<16xf32>, vector<16xi32> -> vector<16xf32>
        %parallel_loop3A_297 = arith.addf %parallel_loop3A_290, %parallel_loop3A_296 : vector<16xf32>
        %parallel_loop3A_298 = arith.constant 7.812500e-03 : f32
        %parallel_loop3A_299 = vector.broadcast %parallel_loop3A_298 : f32 to vector<16xf32>
        %parallel_loop3A_300 = arith.mulf %parallel_loop3A_254, %parallel_loop3A_299 : vector<16xf32>
        %parallel_loop3A_301 = arith.constant 7.812500e-03 : f32
        %parallel_loop3A_302 = vector.broadcast %parallel_loop3A_301 : f32 to vector<16xf32>
        %parallel_loop3A_303 = arith.mulf %parallel_loop3A_297, %parallel_loop3A_302 : vector<16xf32>
        %parallel_loop3A_304 = arith.mulf %parallel_loop3A_300, %parallel_loop3A_300 : vector<16xf32>
        %parallel_loop3A_305 = arith.subf %parallel_loop3A_303, %parallel_loop3A_304 : vector<16xf32>
        %parallel_loop3A_306 = arith.constant 9.99999996E-13 : f32
        %parallel_loop3A_307 = vector.broadcast %parallel_loop3A_306 : f32 to vector<16xf32>
        %parallel_loop3A_308 = arith.addf %parallel_loop3A_305, %parallel_loop3A_307 : vector<16xf32>
        %parallel_loop3A_309 = vector.bitcast %parallel_loop3A_308 : vector<16xf32> to vector<16xi32>
        %parallel_loop3A_310 = arith.constant 1 : i32
        %parallel_loop3A_311 = vector.broadcast %parallel_loop3A_310 : i32 to vector<16xi32>
        %parallel_loop3A_312 = arith.shrui %parallel_loop3A_309, %parallel_loop3A_311 : vector<16xi32>
        %parallel_loop3A_313 = arith.constant 1597463007 : i32
        %parallel_loop3A_314 = vector.broadcast %parallel_loop3A_313 : i32 to vector<16xi32>
        %parallel_loop3A_315 = arith.subi %parallel_loop3A_314, %parallel_loop3A_312 : vector<16xi32>
        %parallel_loop3A_316 = vector.bitcast %parallel_loop3A_315 : vector<16xi32> to vector<16xf32>
        %parallel_loop3A_317 = arith.constant 5.000000e-01 : f32
        %parallel_loop3A_318 = vector.broadcast %parallel_loop3A_317 : f32 to vector<16xf32>
        %parallel_loop3A_319 = arith.mulf %parallel_loop3A_318, %parallel_loop3A_308 : vector<16xf32>
        %parallel_loop3A_320 = arith.mulf %parallel_loop3A_319, %parallel_loop3A_316 : vector<16xf32>
        %parallel_loop3A_321 = arith.mulf %parallel_loop3A_320, %parallel_loop3A_316 : vector<16xf32>
        %parallel_loop3A_322 = arith.constant 1.500000e+00 : f32
        %parallel_loop3A_323 = vector.broadcast %parallel_loop3A_322 : f32 to vector<16xf32>
        %parallel_loop3A_324 = arith.subf %parallel_loop3A_323, %parallel_loop3A_321 : vector<16xf32>
        %parallel_loop3A_325 = arith.mulf %parallel_loop3A_316, %parallel_loop3A_324 : vector<16xf32>
        %parallel_loop3A_326 = arith.constant 5.000000e-01 : f32
        %parallel_loop3A_327 = vector.broadcast %parallel_loop3A_326 : f32 to vector<16xf32>
        %parallel_loop3A_328 = arith.mulf %parallel_loop3A_327, %parallel_loop3A_308 : vector<16xf32>
        %parallel_loop3A_329 = arith.mulf %parallel_loop3A_328, %parallel_loop3A_325 : vector<16xf32>
        %parallel_loop3A_330 = arith.mulf %parallel_loop3A_329, %parallel_loop3A_325 : vector<16xf32>
        %parallel_loop3A_331 = arith.constant 1.500000e+00 : f32
        %parallel_loop3A_332 = vector.broadcast %parallel_loop3A_331 : f32 to vector<16xf32>
        %parallel_loop3A_333 = arith.subf %parallel_loop3A_332, %parallel_loop3A_330 : vector<16xf32>
        %parallel_loop3A_334 = arith.mulf %parallel_loop3A_325, %parallel_loop3A_333 : vector<16xf32>
        %parallel_loop3A_335 = arith.constant 5.000000e-01 : f32
        %parallel_loop3A_336 = vector.broadcast %parallel_loop3A_335 : f32 to vector<16xf32>
        %parallel_loop3A_337 = arith.mulf %parallel_loop3A_336, %parallel_loop3A_308 : vector<16xf32>
        %parallel_loop3A_338 = arith.mulf %parallel_loop3A_337, %parallel_loop3A_334 : vector<16xf32>
        %parallel_loop3A_339 = arith.mulf %parallel_loop3A_338, %parallel_loop3A_334 : vector<16xf32>
        %parallel_loop3A_340 = arith.constant 1.500000e+00 : f32
        %parallel_loop3A_341 = vector.broadcast %parallel_loop3A_340 : f32 to vector<16xf32>
        %parallel_loop3A_342 = arith.subf %parallel_loop3A_341, %parallel_loop3A_339 : vector<16xf32>
        %parallel_loop3A_343 = arith.mulf %parallel_loop3A_334, %parallel_loop3A_342 : vector<16xf32>
        %parallel_loop3A_344 = arith.mulf %parallel_loop3A_343, %get3A_5 : vector<16xf32>
        %parallel_loop3A_345 = arith.mulf %parallel_loop3A_300, %parallel_loop3A_344 : vector<16xf32>
        %parallel_loop3A_346 = arith.subf %get3A_37, %parallel_loop3A_345 : vector<16xf32>
        %parallel_loop3A_347 = arith.mulf %parallel_loop3A_170, %parallel_loop3A_344 : vector<16xf32>
        %parallel_loop3A_348 = arith.addf %parallel_loop3A_347, %parallel_loop3A_346 : vector<16xf32>
        %parallel_loop3A_349 = arith.index_cast %parallel_loop3A_162 : i32 to index
        %parallel_loop3A_350 = arith.constant 0 : index
        %parallel_loop3A_351 = tpu.vector_load %arg12[%parallel_loop3A_349, %parallel_loop3A_350] {strides = array<i32>} : memref<128x128xf32, #tpu.memory_space<vmem>>, vector<16xf32>,
        tpu.vector_store %arg12[%parallel_loop3A_349, %parallel_loop3A_350], %parallel_loop3A_348 {strides = array<i32>} : memref<128x128xf32, #tpu.memory_space<vmem>>, vector<16xf32>,
        %parallel_loop3A_352 = arith.mulf %parallel_loop3A_343, %get3A_9 : vector<16xf32>
        %parallel_loop3A_353 = arith.mulf %parallel_loop3A_300, %parallel_loop3A_352 : vector<16xf32>
        %parallel_loop3A_354 = arith.subf %get3A_41, %parallel_loop3A_353 : vector<16xf32>
        %parallel_loop3A_355 = arith.mulf %parallel_loop3A_177, %parallel_loop3A_352 : vector<16xf32>
        %parallel_loop3A_356 = arith.addf %parallel_loop3A_355, %parallel_loop3A_354 : vector<16xf32>
        %parallel_loop3A_357 = arith.index_cast %parallel_loop3A_162 : i32 to index
        %parallel_loop3A_358 = arith.constant 16 : index
        %parallel_loop3A_359 = tpu.vector_load %arg12[%parallel_loop3A_357, %parallel_loop3A_358] {strides = array<i32>} : memref<128x128xf32, #tpu.memory_space<vmem>>, vector<16xf32>,
        tpu.vector_store %arg12[%parallel_loop3A_357, %parallel_loop3A_358], %parallel_loop3A_356 {strides = array<i32>} : memref<128x128xf32, #tpu.memory_space<vmem>>, vector<16xf32>,
        %parallel_loop3A_360 = arith.mulf %parallel_loop3A_343, %get3A_13 : vector<16xf32>
        %parallel_loop3A_361 = arith.mulf %parallel_loop3A_300, %parallel_loop3A_360 : vector<16xf32>
        %parallel_loop3A_362 = arith.subf %get3A_45, %parallel_loop3A_361 : vector<16xf32>
        %parallel_loop3A_363 = arith.mulf %parallel_loop3A_184, %parallel_loop3A_360 : vector<16xf32>
        %parallel_loop3A_364 = arith.addf %parallel_loop3A_363, %parallel_loop3A_362 : vector<16xf32>
        %parallel_loop3A_365 = arith.index_cast %parallel_loop3A_162 : i32 to index
        %parallel_loop3A_366 = arith.constant 32 : index
        %parallel_loop3A_367 = tpu.vector_load %arg12[%parallel_loop3A_365, %parallel_loop3A_366] {strides = array<i32>} : memref<128x128xf32, #tpu.memory_space<vmem>>, vector<16xf32>,
        tpu.vector_store %arg12[%parallel_loop3A_365, %parallel_loop3A_366], %parallel_loop3A_364 {strides = array<i32>} : memref<128x128xf32, #tpu.memory_space<vmem>>, vector<16xf32>,
        %parallel_loop3A_368 = arith.mulf %parallel_loop3A_343, %get3A_17 : vector<16xf32>
        %parallel_loop3A_369 = arith.mulf %parallel_loop3A_300, %parallel_loop3A_368 : vector<16xf32>
        %parallel_loop3A_370 = arith.subf %get3A_49, %parallel_loop3A_369 : vector<16xf32>
        %parallel_loop3A_371 = arith.mulf %parallel_loop3A_191, %parallel_loop3A_368 : vector<16xf32>
        %parallel_loop3A_372 = arith.addf %parallel_loop3A_371, %parallel_loop3A_370 : vector<16xf32>
        %parallel_loop3A_373 = arith.index_cast %parallel_loop3A_162 : i32 to index
        %parallel_loop3A_374 = arith.constant 48 : index
        %parallel_loop3A_375 = tpu.vector_load %arg12[%parallel_loop3A_373, %parallel_loop3A_374] {strides = array<i32>} : memref<128x128xf32, #tpu.memory_space<vmem>>, vector<16xf32>,
        tpu.vector_store %arg12[%parallel_loop3A_373, %parallel_loop3A_374], %parallel_loop3A_372 {strides = array<i32>} : memref<128x128xf32, #tpu.memory_space<vmem>>, vector<16xf32>,
        %parallel_loop3A_376 = arith.mulf %parallel_loop3A_343, %get3A_21 : vector<16xf32>
        %parallel_loop3A_377 = arith.mulf %parallel_loop3A_300, %parallel_loop3A_376 : vector<16xf32>
        %parallel_loop3A_378 = arith.subf %get3A_53, %parallel_loop3A_377 : vector<16xf32>
        %parallel_loop3A_379 = arith.mulf %parallel_loop3A_198, %parallel_loop3A_376 : vector<16xf32>
        %parallel_loop3A_380 = arith.addf %parallel_loop3A_379, %parallel_loop3A_378 : vector<16xf32>
        %parallel_loop3A_381 = arith.index_cast %parallel_loop3A_162 : i32 to index
        %parallel_loop3A_382 = arith.constant 64 : index
        %parallel_loop3A_383 = tpu.vector_load %arg12[%parallel_loop3A_381, %parallel_loop3A_382] {strides = array<i32>} : memref<128x128xf32, #tpu.memory_space<vmem>>, vector<16xf32>,
        tpu.vector_store %arg12[%parallel_loop3A_381, %parallel_loop3A_382], %parallel_loop3A_380 {strides = array<i32>} : memref<128x128xf32, #tpu.memory_space<vmem>>, vector<16xf32>,
        %parallel_loop3A_384 = arith.mulf %parallel_loop3A_343, %get3A_25 : vector<16xf32>
        %parallel_loop3A_385 = arith.mulf %parallel_loop3A_300, %parallel_loop3A_384 : vector<16xf32>
        %parallel_loop3A_386 = arith.subf %get3A_57, %parallel_loop3A_385 : vector<16xf32>
        %parallel_loop3A_387 = arith.mulf %parallel_loop3A_205, %parallel_loop3A_384 : vector<16xf32>
        %parallel_loop3A_388 = arith.addf %parallel_loop3A_387, %parallel_loop3A_386 : vector<16xf32>
        %parallel_loop3A_389 = arith.index_cast %parallel_loop3A_162 : i32 to index
        %parallel_loop3A_390 = arith.constant 80 : index
        %parallel_loop3A_391 = tpu.vector_load %arg12[%parallel_loop3A_389, %parallel_loop3A_390] {strides = array<i32>} : memref<128x128xf32, #tpu.memory_space<vmem>>, vector<16xf32>,
        tpu.vector_store %arg12[%parallel_loop3A_389, %parallel_loop3A_390], %parallel_loop3A_388 {strides = array<i32>} : memref<128x128xf32, #tpu.memory_space<vmem>>, vector<16xf32>,
        %parallel_loop3A_392 = arith.mulf %parallel_loop3A_343, %get3A_29 : vector<16xf32>
        %parallel_loop3A_393 = arith.mulf %parallel_loop3A_300, %parallel_loop3A_392 : vector<16xf32>
        %parallel_loop3A_394 = arith.subf %get3A_61, %parallel_loop3A_393 : vector<16xf32>
        %parallel_loop3A_395 = arith.mulf %parallel_loop3A_212, %parallel_loop3A_392 : vector<16xf32>
        %parallel_loop3A_396 = arith.addf %parallel_loop3A_395, %parallel_loop3A_394 : vector<16xf32>
        %parallel_loop3A_397 = arith.index_cast %parallel_loop3A_162 : i32 to index
        %parallel_loop3A_398 = arith.constant 96 : index
        %parallel_loop3A_399 = tpu.vector_load %arg12[%parallel_loop3A_397, %parallel_loop3A_398] {strides = array<i32>} : memref<128x128xf32, #tpu.memory_space<vmem>>, vector<16xf32>,
        tpu.vector_store %arg12[%parallel_loop3A_397, %parallel_loop3A_398], %parallel_loop3A_396 {strides = array<i32>} : memref<128x128xf32, #tpu.memory_space<vmem>>, vector<16xf32>,
        %parallel_loop3A_400 = arith.mulf %parallel_loop3A_343, %get3A_33 : vector<16xf32>
        %parallel_loop3A_401 = arith.mulf %parallel_loop3A_300, %parallel_loop3A_400 : vector<16xf32>
        %parallel_loop3A_402 = arith.subf %get3A_65, %parallel_loop3A_401 : vector<16xf32>
        %parallel_loop3A_403 = arith.mulf %parallel_loop3A_219, %parallel_loop3A_400 : vector<16xf32>
        %parallel_loop3A_404 = arith.addf %parallel_loop3A_403, %parallel_loop3A_402 : vector<16xf32>
        %parallel_loop3A_405 = arith.index_cast %parallel_loop3A_162 : i32 to index
        %parallel_loop3A_406 = arith.constant 112 : index
        %parallel_loop3A_407 = tpu.vector_load %arg12[%parallel_loop3A_405, %parallel_loop3A_406] {strides = array<i32>} : memref<128x128xf32, #tpu.memory_space<vmem>>, vector<16xf32>,
        tpu.vector_store %arg12[%parallel_loop3A_405, %parallel_loop3A_406], %parallel_loop3A_404 {strides = array<i32>} : memref<128x128xf32, #tpu.memory_space<vmem>>, vector<16xf32>,
      } {sc.loop_unroll_factor = 4 : i64, sc.parallel_access}
      %mul3A_148 = arith.constant 128 : i32
      %mul3A_149 = arith.muli %add3A_129, %mul3A_148 : i32
      %add3A_150 = arith.addi %mul3A_2, %mul3A_149 : i32
      %dma_start3A_151 = arith.constant 0 : i32
      %dma_start3A_152 = tpu.memref_slice %arg6[%add3A_150, %dma_start3A_151] : memref<204800x128xf32, #tpu.memory_space<hbm>> -> memref<128x128xf32, #tpu.memory_space<hbm>>
      %dma_start3A_153 = arith.constant 0 : i32
      %dma_start3A_154 = tpu.memref_slice %arg6[%add3A_150, %dma_start3A_153] : memref<204800x128xf32, #tpu.memory_space<hbm>> -> memref<128x128xf32, #tpu.memory_space<hbm>>
      tpu.enqueue_dma source(%arg12 : memref<128x128xf32, #tpu.memory_space<vmem>>) target(%dma_start3A_154 : memref<128x128xf32, #tpu.memory_space<hbm>>) target_semaphore(%arg17 : memref<!tpu.dma_semaphore, #tpu.memory_space<semaphore_mem>>)
      %add3A_155 = arith.constant 2 : i32
      %add3A_156 = arith.addi %add3A_129, %add3A_155 : i32
      %lt3A_157 = arith.constant 50 : i32
      %lt3A_158 = arith.cmpi slt, %add3A_156, %lt3A_157 : i32
      %convert_element_type3A_159 = arith.extui %lt3A_158 : i1 to i32
      %cond3A_160 = arith.constant 0 : i32
      %cond3A_161 = arith.cmpi ne, %convert_element_type3A_159, %cond3A_160 : i32
      scf.if %cond3A_161 {
        %add3A_162 = arith.constant 2 : i32
        %add3A_163 = arith.addi %add3A_129, %add3A_162 : i32
        %dma_start3A_164 = arith.constant 0 : i32
        %dma_start3A_165 = tpu.memref_slice %arg7[%add3A_163, %dma_start3A_164] : memref<50x128xi32, #tpu.memory_space<vmem>> -> memref<1x128xi32, #tpu.memory_space<vmem>>
        %dma_start3A_166 = tpu.memref_squeeze %dma_start3A_165 : memref<1x128xi32, #tpu.memory_space<vmem>> -> memref<128xi32, #tpu.memory_space<vmem>>
        %dma_start3A_167 = arith.constant 0 : i32
        %dma_start3A_168 = arith.constant 0 : i32
        %dma_start3A_169 = tpu.memref_slice %arg3[%dma_start3A_167, %dma_start3A_168] : memref<100000x128xf32, #tpu.memory_space<hbm>> -> memref<100000x128xf32, #tpu.memory_space<hbm>>
        tpu.enqueue_indirect_dma source(%dma_start3A_169 : memref<100000x128xf32, #tpu.memory_space<hbm>>) target(%arg10 : memref<128x128xf32, #tpu.memory_space<vmem>>) offsets(%dma_start3A_166 : memref<128xi32, #tpu.memory_space<vmem>>) semaphore(%arg15 : memref<!tpu.dma_semaphore, #tpu.memory_space<semaphore_mem>>)
      } else {
      }
    }
    %scan3A_83 = arith.constant 25 : i32
    %add3A_84 = arith.constant 6144 : i32
    %add3A_85 = arith.addi %mul3A_2, %add3A_84 : i32
    %dma_wait3A = arith.constant 0 : i32
    %dma_wait3A_86 = tpu.memref_slice %arg6[%add3A_85, %dma_wait3A] : memref<204800x128xf32, #tpu.memory_space<hbm>> -> memref<128x128xf32, #tpu.memory_space<hbm>>
    %dma_wait3A_87 = arith.constant 0 : i32
    %dma_wait3A_88 = tpu.memref_slice %arg6[%add3A_85, %dma_wait3A_87] : memref<204800x128xf32, #tpu.memory_space<hbm>> -> memref<128x128xf32, #tpu.memory_space<hbm>>
    tpu.wait_dma2 semaphore(%arg16 : memref<!tpu.dma_semaphore, #tpu.memory_space<semaphore_mem>>) src(%arg11 : memref<128x128xf32, #tpu.memory_space<vmem>>) dst(%dma_wait3A_88 : memref<128x128xf32, #tpu.memory_space<hbm>>)
    %add3A_89 = arith.constant 6272 : i32
    %add3A_90 = arith.addi %mul3A_2, %add3A_89 : i32
    %dma_wait3A_91 = arith.constant 0 : i32
    %dma_wait3A_92 = tpu.memref_slice %arg6[%add3A_90, %dma_wait3A_91] : memref<204800x128xf32, #tpu.memory_space<hbm>> -> memref<128x128xf32, #tpu.memory_space<hbm>>
    %dma_wait3A_93 = arith.constant 0 : i32
    %dma_wait3A_94 = tpu.memref_slice %arg6[%add3A_90, %dma_wait3A_93] : memref<204800x128xf32, #tpu.memory_space<hbm>> -> memref<128x128xf32, #tpu.memory_space<hbm>>
    tpu.wait_dma2 semaphore(%arg17 : memref<!tpu.dma_semaphore, #tpu.memory_space<semaphore_mem>>) src(%arg12 : memref<128x128xf32, #tpu.memory_space<vmem>>) dst(%dma_wait3A_94 : memref<128x128xf32, #tpu.memory_space<hbm>>)
    return
  }
}

</mosaic_0001>

<sc_bundles>
// kernel: kernel.3.cloned.1.call-start
scs
__scs_entry_jumppad:
0x0: {  	(pc) =	sbr.rel $0x88, $3  }
0x1: {  	(tag) =	ssettag $0x0;
	lr =	simm.s32 $0x1  }
0x2: {  	[smem:$0x3F9C] =	sst lr;
	_ =	strace $0xD0000000  }
0x3: {  	_ = 	snop  }
0x4: {  	_ = 	snop  }
0x5: {  	_ = 	snop  }
0x6: {  	_ = 	snop  }
0x7: {  	_ = 	snop  }
__scs_overlays_trampoline_lowered:
0x8: {  	[smem:$0x3FAB] =	sst s0  }
0x9: {  	[smem:$0x3FAC] =	sst s1  }
0xa: {  	[smem:$0x3FAD] =	sst s2  }
0xb: {  	[smem:$0x3FAE] =	sst s3  }
0xc: {  	[smem:$0x3FAF] =	sst s4  }
0xd: {  	[smem:$0x3FB0] =	sst s5  }
0xe: {  	[smem:$0x3FB1] =	sst s6  }
0xf: {  	[smem:$0x3FB2] =	sst s7  }
0x10: {  	[smem:$0x3FB3] =	sst s8  }
0x11: {  	[smem:$0x3FB4] =	sst s9;
	s0 =	simm.s32 @!p0 $0x0  }
0x12: {  	s1 =	sld [smem:$0x3F9A];
	s0 =	simm.s32 @p0 $0x1  }
0x13: {  	[smem:$0x3FB5] =	sst s0;
	s0 =	simm.s32 @!p1 $0x0  }
0x14: {  	s2 =	sld [smem:$0x3F99];
	s0 =	simm.s32 @p1 $0x1  }
0x15: {  	[smem:$0x3FB6] =	sst s0;
	s0 =	simm.s32 @!p2 $0x0  }
0x16: {  	s3 =	sld [smem:$0x3FDB];
	s0 =	simm.s32 @p2 $0x1  }
0x17: {  	s4 =	simm.s32 $0x1BF5;
	[smem:$0x3FB8] =	sst s0  }
0x18: {  	s0 =	sld [smem:$0x3F9B];
	_ =	swait.ge [sflag:s4], $0x0  }
0x19: {  	s7 =	sld [smem:$0x3F9C]  }
0x1a: {  	s8 =	sadd.s32 $0xFFFFE003, lr  }
0x1b: {  	s9 =	sadd.s32 $0xFFFFFEF7, lr;
	s5 =	simm.s32 $0xFFFFFFFF;
	p2 =	slt.u32 s8, $0xFFFFF086  }
0x1c: {  	p1 =	slt.u32 s9, $0xF7A;
	s5 =	simm.s32 @!p2 $0x0  }
0x1d: {  	s5 =	simm.s32 @p1 $0x1;
	p0 =	seq.s32 s7, s2  }
0x1e: {  	s7 =	smul.u32 @!p0 $0xF7A, s2;
	p2 =	seq.s32 @!p0 s5, $0x0  }
0x1f: {  	s9 =	smul.u32 $0xF7A, s1;
	s8 =	simm.s32 @!p0 $0x1BF5;
	p2 =	por !p2, p0  }
0x20: {  	[sflag:s8] =	ssyncset.s32 @!p0 $0xFFFFF086;
	s6 =	sadd.s32 @!p0 s3, s7;
	s7 =	simm.s32 @!p0 $0x108  }
0x21: {  	s3 =	sadd.s32 s3, s9;
	s6 =	sadd.s32 @!p0 $0x88, s6;
	s7 =	simm.s32 @p2 $0x1082  }
0x22: {  	[simem:s7], [sflag:s8] =	dma.local @!p0 [hbm:s6], $0xF7A  }
0x23: {  	s9 =	sor.u32 $0xD0000000, s2;
	s6 =	simm.s32 $0x108;
	_ =	swait.ge @!p0 [sflag:s8], $0x0  }
0x24: {  	s3 =	sadd.s32 $0x88, s3;
	s6 =	simm.s32 @!p1 $0x1082;
	[sflag:s4] =	ssyncset.s32 $0xFFFFF086  }
0x25: {  	[simem:s6], [sflag:s4] =	dma.local [hbm:s3], $0xF7A  }
0x26: {  	[smem:$0x3F9C] =	sst s1;
	(tag) =	ssettag s2;
	_ =	strace s9  }
0x27: {  	s1 =	sld [smem:$0x3FAC]  }
0x28: {  	s2 =	sld [smem:$0x3FAD]  }
0x29: {  	s4 =	sld [smem:$0x3FAF]  }
0x2a: {  	p0 =	seq.s32 s5, $0x0;
	s5 =	sld [smem:$0x3FB0]  }
0x2b: {  	s6 =	sld [smem:$0x3FB1]  }
0x2c: {  	s7 =	sld [smem:$0x3FB2]  }
0x2d: {  	s3 =	simm.s32 $0x108;
	s8 =	sld [smem:$0x3FB3]  }
0x2e: {  	s3 =	simm.s32 @!p0 $0x1082;
	s9 =	sld [smem:$0x3FB4]  }
0x2f: {  	lr =	sadd.s32 s0, s3;
	s0 =	sld [smem:$0x3FAB]  }
0x30: {  	s3 =	sld [smem:$0x3FAE]  }
0x31: {  	[smem:$0x3FB7] =	sst s10  }
0x32: {  	s10 =	sld [smem:$0x3FB5];
	_ =	sdelay $0x3  }
0x33: {  	p0 =	seq.s32 s10, $0x1;
	s10 =	sld [smem:$0x3FB7];
	_ =	sdelay $0x3  }
0x34: {  	[smem:$0x3FB7] =	sst s10  }
0x35: {  	s10 =	sld [smem:$0x3FB6];
	_ =	sdelay $0x3  }
0x36: {  	p1 =	seq.s32 s10, $0x1;
	s10 =	sld [smem:$0x3FB7];
	_ =	sdelay $0x3  }
0x37: {  	[smem:$0x3FB7] =	sst s10  }
0x38: {  	s10 =	sld [smem:$0x3FB8]  }
0x39: {  	_ = 	snop;
	(pc) =	sbr.ind lr, $3  }
0x3a: {  	_ = 	snop  }
0x3b: {  	_ = 	snop  }
0x3c: {  	p2 =	seq.s32 s10, $0x1;
	s10 =	sld [smem:$0x3FB7]  }
0x3d: {  	_ =	shalt  }
0x3e: {  	_ =	shalt  }
0x3f: {  	_ =	shalt  }
0x40: {  	_ =	shalt  }
0x41: {  	_ =	shalt  }
0x42: {  	_ =	shalt  }
0x43: {  	_ =	shalt  }
0x44: {  	_ =	shalt  }
0x45: {  	_ =	shalt  }
0x46: {  	_ =	shalt  }
0x47: {  	_ =	shalt  }
0x48: {  	_ =	shalt  }
0x49: {  	_ =	shalt  }
0x4a: {  	_ =	shalt  }
0x4b: {  	_ =	shalt  }
0x4c: {  	_ =	shalt  }
0x4d: {  	_ =	shalt  }
0x4e: {  	_ =	shalt  }
0x4f: {  	_ =	shalt  }
0x50: {  	_ =	shalt  }
0x51: {  	_ =	shalt  }
0x52: {  	_ =	shalt  }
0x53: {  	_ =	shalt  }
0x54: {  	_ =	shalt  }
0x55: {  	_ =	shalt  }
0x56: {  	_ =	shalt  }
0x57: {  	_ =	shalt  }
0x58: {  	_ =	shalt  }
0x59: {  	_ =	shalt  }
0x5a: {  	_ =	shalt  }
0x5b: {  	_ =	shalt  }
0x5c: {  	_ =	shalt  }
0x5d: {  	_ =	shalt  }
0x5e: {  	_ =	shalt  }
0x5f: {  	_ =	shalt  }
0x60: {  	_ =	shalt  }
0x61: {  	_ =	shalt  }
0x62: {  	_ =	shalt  }
0x63: {  	_ =	shalt  }
0x64: {  	_ =	shalt  }
0x65: {  	_ =	shalt  }
0x66: {  	_ =	shalt  }
0x67: {  	_ =	shalt  }
0x68: {  	_ =	shalt  }
0x69: {  	_ =	shalt  }
0x6a: {  	_ =	shalt  }
0x6b: {  	_ =	shalt  }
0x6c: {  	_ =	shalt  }
0x6d: {  	_ =	shalt  }
0x6e: {  	_ =	shalt  }
0x6f: {  	_ =	shalt  }
0x70: {  	_ =	shalt  }
0x71: {  	_ =	shalt  }
0x72: {  	_ =	shalt  }
0x73: {  	_ =	shalt  }
0x74: {  	_ =	shalt  }
0x75: {  	_ =	shalt  }
0x76: {  	_ =	shalt  }
0x77: {  	_ =	shalt  }
0x78: {  	_ =	shalt  }
0x79: {  	_ =	shalt  }
0x7a: {  	_ =	shalt  }
0x7b: {  	_ =	shalt  }
0x7c: {  	_ =	shalt  }
0x7d: {  	_ =	shalt  }
0x7e: {  	_ =	shalt  }
0x7f: {  	_ =	shalt  }
0x80: {  	_ =	shalt  }
0x81: {  	_ =	shalt  }
0x82: {  	_ =	shalt  }
0x83: {  	_ =	shalt  }
0x84: {  	_ =	shalt  }
0x85: {  	_ =	shalt  }
0x86: {  	_ =	shalt  }
0x87: {  	_ =	shalt  }
.Lfunc_end0:
.L_simem_size_0:
called_computation_lowered:
.L_overlay_start_0:
0x88: {  	s2 =	sld [smem:$0x3FD9]  }
0x89: {  	s3 =	sld [smem:$0x3FFE];
	_ =	sdelay $0x1  }
0x8a: {  	s1 =	srdreg.scid  }
0x8b: {  	s0 =	sand.u32 $0x1, s1  }
0x8c: {  	s17 =	sshll.u32 s0, $0xA;
	s2 =	sadd.s32 s3, s2  }
0x8d: {  	s2 =	sadd.s32 s2, s17  }
0x8e: {  	[smem:$0x3FC3] =	sst s2  }
0x8f: {  	_ = 	snop  }
0x90: {  	s2 =	sld [smem:$0x3FC8]  }
0x91: {  	s18 =	sld [smem:$0x3FD0];
	(tm) =	ssettm $0x1  }
0x92: {  	s4 =	sld [smem:$0x3FFB];
	_ =	sdelay $0x3  }
0x93: {  	_ =	strace s4  }
0x94: {  	s4 =	sld [smem:$0x3FFC];
	_ =	sdelay $0x3  }
0x95: {  	_ =	strace s4  }
0x96: {  	s4 =	sld [smem:$0x3FFD];
	_ =	sdelay $0x3  }
0x97: {  	_ =	strace s4  }
0x98: {  	_ =	strace $0x8FFFFFFF  }
0x99: {  	s19 =	sld [smem:$0x3FDB];
	_ =	sdelay $0x1  }
0x9a: {  	s5 =	simm.s32 $_scs_section_size  }
0x9b: {  	s6 =	simm.s32 $_size__tile_overlayer_lowered;
	s7 =	simm.s32 $_tile_overlayer_lowered  }
0x9c: {  	s22 =	simm.s32 $0x1BFF;
	s21 =	sshll.u32 s7, $0x1;
	s4 =	sadd.s32 s5, s19  }
0x9d: {  	s8 =	simm.s32 $0x0;
	s20 =	sshll.u32 s6, $0x1;
	s6 =	sadd.s32 s21, s4  }
0x9e: {  	[timem:s8], [sflag:s22] =	dma.local [hbm:s6], s20  }
0x9f: {  	_ =	swait.ge [sflag:s22], s20  }
0xa0: {  	s5 =	ssub.s32 $0x0, s20;
	[sflag:s22] =	ssyncset.done $0x0  }
0xa1: {  	[sflag:s22] =	ssyncadd.s32 s5;
	_ =	sdelay $0x1  }
0xa2: {  	s23 =	simm.s32 $0x1B8B  }
0xa3: {  	_ =	swait.ge [sflag:s23], $0x1  }
0xa4: {  	[sflag:s23] =	ssyncset.done $0x0  }
0xa5: {  	s25 =	simm.s32 $0x1B8E;
	s24 =	sld [smem:$0x3FFE];
	[sflag:s23] =	ssyncadd.s32 $0xFFFFFFFF  }
0xa6: {  	s26 =	simm.s32 $execute0_lowered;
	[smem:$0x3FD2] =	sst s25  }
0xa7: {  	s6 =	sshll.u32 s26, $0x1;
	_ =	strace $0x80000046;
	[dreg:$0x1] =	wrdreg $0xFFFFFFFF  }
0xa8: {  	s28 =	simm.s32 $_size_execute0_lowered;
	s4 =	sadd.s32 s4, s6;
	[dreg:$0x0] =	wrdreg $0x0  }
0xa9: {  	s6 =	sshll.u32 s28, $0x1;
	[dreg:$0x2] =	wrdreg s4  }
0xaa: {  	[dreg:$0x3] =	wrdreg s6  }
0xab: {  	[dreg:$0x4] =	wrdreg $0xC0  }
0xac: {  	_ =	task [dreg:s8], $0x5FFFF  }
0xad: {  	[dreg:$0x1] =	wrdreg $0xFFFFFFFF  }
0xae: {  	[dreg:$0x0] =	wrdreg $0x60  }
0xaf: {  	[dreg:$0x2] =	wrdreg s24  }
0xb0: {  	[dreg:$0x3] =	wrdreg s2  }
0xb1: {  	[dreg:$0x4] =	wrdreg s18  }
0xb2: {  	[dreg:$0x5] =	wrdreg $0x9  }
0xb3: {  	_ =	task.clear_ibuf [dreg:s8], $0x6FFFF;
	_ =	strace $0x90000046  }
0xb4: {  	s29 =	simm.s32 $0x9;
	_ =	strace $0x80000048  }
0xb5: {  	_ =	swait.ge [sflag:s29], $0x1  }
0xb6: {  	[sflag:s29] =	ssyncadd.s32 $0xFFFFFFFF  }
0xb7: {  	_ =	strace $0x90000048  }
0xb8: {  	_ =	sfence  }
0xb9: {  	s30 =	sld [smem:$0x0];
	_ =	sdelay $0x2  }
0xba: {  	s31 =	sshll.u32 s1, $0xD;
	s1 =	sshrl.u32 s1, $0x2  }
0xbb: {  	s3 =	sand.u32 $0x4000, s31;
	s1 =	sadd.s32 s1, s30  }
0xbc: {  	s0 =	sor.u32 s3, s0;
	s1 =	sshll.u32 s1, $0x11  }
0xbd: {  	s0 =	sor.u32 s1, s0  }
0xbe: {  	s0 =	sadd.s32 $0x8F2B, s0  }
0xbf: {  	[sflag:s0] =	ssyncadd.remote.s32 $0x1  }
0xc0: {  	_ =	sfence.sel $0xFFFF  }
0xc1: {  	[dreg:$0x0] =	wrdreg $0xFFFFFFFF;
	(pc) =	sbr.abs _section_cstart, $3  }
0xc2: {  	[dreg:$0x1] =	wrdreg $0xFFFFFFFF  }
0xc3: {  	_ =	task.clear_ibuf [dreg:s8], $0x2FFFF;
	_ =	strace $0x9FFFFFFF  }
0xc4: {  	(tm) =	ssettm $0x7FFFFFFF  }
0xc5: {  	_ =	shalt  }
tec
execute0_lowered:
.L_overlay_start_1:
0x0: {  	(tag) =	ssettag $0x1  }
0x1: {  	v0 =	vimm.s32 $0xFEDCBA98;
	v1 =	vimm.s32 $0x76543210;
	v2 =	vimm.s32 $0xBA98FEDC  }
0x2: {  	s1 =	rddreg [dreg:$0x0];
	v3 =	vimm.s32 $0x32107654;
	v4 =	vimm.s32 $0xDCFE98BA;
	v5 =	vimm.s32 $0x54761032  }
0x3: {  	s0 =	rddreg [dreg:$0x1];
	v6 =	vimm.s32 $0xEFCDAB89;
	v7 =	vimm.s32 $0x67452301;
	v0 =	vunpack.c.l.s4.s8 v0  }
0x4: {  	s2 =	rddreg [dreg:$0x2];
	s3 =	simm.s32 $0x0;
	v1 =	vunpack.c.l.s4.s8 v1;
	v2 =	vunpack.c.l.s4.s8 v2;
	v3 =	vunpack.c.l.s4.s8 v3  }
0x5: {  	s4 =	srdreg.scid;
	s5 =	stileid.u32;
	s10 =	simm.s32 $0x5;
	v4 =	vunpack.c.l.s4.s8 v4;
	v5 =	vunpack.c.l.s4.s8 v5;
	v6 =	vunpack.c.l.s4.s8 v6  }
0x6: {  	s13 =	simm.s32 $0xE400;
	s14 =	simm.s32 $0x12400;
	s15 =	simm.s32 $0x1;
	v7 =	vunpack.c.l.s4.s8 v7;
	v0 =	vunpack.c.0.s8.s32 v0;
	v2 =	vunpack.c.0.s8.s32 v2  }
0x7: {  	s16 =	simm.s32 $0x16400;
	s17 =	simm.s32 $0x2;
	s18 =	simm.s32 $0x4;
	v3 =	vunpack.c.0.s8.s32 v3;
	v4 =	vunpack.c.0.s8.s32 v4;
	v1 =	vunpack.c.0.s8.s32 v1  }
0x8: {  	s19 =	simm.s32 $0x1A400;
	s20 =	simm.s32 $0x3;
	s21 =	simm.s32 $0x80;
	v5 =	vunpack.c.0.s8.s32 v5;
	v6 =	vunpack.c.0.s8.s32 v6;
	v0 =	vand.u32 $0xF, v0  }
0x9: {  	[smem:$0x7FF] =	sst s3;
	s4 =	sand.u32 $0x1, s4;
	s5 =	sshll.u32 s5, $0x1;
	v7 =	vunpack.c.0.s8.s32 v7;
	v2 =	vcombine.low v3, v2;
	v0 =	vcombine.low v0, v1  }
.Ltmp0:
0xa: {  	s30 =	sadd.s32 $0x400, s1;
	s5 =	sor.u32 s4, s5;
	v3 =	vcombine.low v5, v4;
	(pc) =	sbr.rel .LBB2_1-.Ltmp0, $4  }
0xb: {  	_ =	strace $0x80000047;
	s4 =	ssub.s32 $0x2, s4;
	s6 =	smul.u32 $0x380, s5;
	v4 =	vcombine.low v7, v6;
	v1 =	vand.u32 $0xF, v2;
	[tilespmem:$0x1FFC0] =	vst v0  }
0xc: {  	s22 =	simm.s32 $0x0;
	[dreg:$0x4] =	wrdreg s30;
	s7 =	sshrl.u32 s4, $0x1;
	v2 =	vand.u32 $0xF, v3;
	[tilespmem:$0x1FFD0] =	vst v1  }
0xd: {  	s31 =	ssub.s32 s4, s7;
	s7 =	smul.u32 $0x1900, s5;
	s8 =	sadd.s32 s6, s1;
	v3 =	vand.u32 $0xF, v4;
	[tilespmem:$0x1FFE0] =	vst v2  }
0xe: {  	s6 =	sadd.s32 $0x8E00, s1;
	s9 =	smax.u32 s31, $0x1;
	s8 =	sadd.s32 $0x1E00, s8;
	[tilespmem:$0x1FFF0] =	vst v3  }
.LBB2_12:
0xf: {  	_ =	swait.ge [sflag:s20], $0x4000  }
0x10: {  	s22 =	sadd.s32 $0x1, s22;
	[sflag:s20] =	ssyncset.done $0x0  }
0x11: {  	p0 =	sne.s32 s22, s9;
	[sflag:s20] =	ssyncadd.s32 $0xFFFFC000  }
.Ltmp1:
0x12: {  	_ =	swait.ge [sflag:s18], $0x4000;
	(pc) =	sbr.rel @!p0 .LBB2_13-.Ltmp1, $4  }
0x13: {  	v0 =	vld [tilespmem:$0x1FFC0]  }
0x14: {  	v1 =	vld [tilespmem:$0x1FFD0]  }
0x15: {  	[sflag:s18] =	ssyncset.done $0x0;
	v2 =	vld [tilespmem:$0x1FFE0]  }
0x16: {  	v3 =	vld [tilespmem:$0x1FFF0];
	[sflag:s18] =	ssyncadd.s32 $0xFFFFC000  }
.LBB2_1:
0x17: {  	[tilespmem:s3], [sflag:$0x5] =	stream.linear.gather [hbm4b:s8+s3], $0x1900, $0x38;
	[tilespmem:$0x1E500] =	vst v63  }
0x18: {  	_ =	swait.ge [sflag:s10], $0x1900  }
0x19: {  	[sflag:s10] =	ssyncset.done $0x0  }
0x1a: {  	s4 =	simm.s32 $0x1C00;
	s1 =	rddreg [dreg:$0x4];
	[sflag:s10] =	ssyncadd.s32 $0xFFFFE700  }
0x1b: {  	[tilespmem:s4], [sflag:$0x5] =	stream.linear.gather [hbm4b:s1+s3], $0xC800, $0x38;
	[tilespmem:$0x1E500] =	vst v63  }
0x1c: {  	_ =	swait.ge [sflag:s10], $0xC800  }
0x1d: {  	[sflag:s10] =	ssyncset.done $0x0  }
0x1e: {  	s31 =	simm.s32 $0x1E400;
	[sflag:s10] =	ssyncadd.s32 $0xFFFF3800  }
0x1f: {  	[tilespmem:s31], [sflag:$0x5] =	stream.linear.gather [hbm4b:s6+s3], $0x100, $0x38;
	[tilespmem:$0x1E500] =	vst v63  }
0x20: {  	_ =	swait.ge [sflag:s10], $0x100  }
0x21: {  	[sflag:s10] =	ssyncset.done $0x0  }
0x22: {  	[sflag:s10] =	ssyncadd.s32 $0xFFFFFF00  }
0x23: {  	v4 =	vld [tilespmem:$0x1E430];
	_ =	sdelay $0x4  }
0x24: {  	[tilespmem:$0x1FEC0] =	vst v4;
	v4 =	vld [tilespmem:$0x1E440];
	_ =	sdelay $0x4  }
0x25: {  	[tilespmem:$0x1FED0] =	vst v4;
	v4 =	vld [tilespmem:$0x1E450];
	_ =	sdelay $0x4  }
0x26: {  	[tilespmem:$0x1FEE0] =	vst v4;
	v4 =	vld [tilespmem:$0x1E470];
	_ =	sdelay $0x4  }
0x27: {  	[tilespmem:$0x1FEF0] =	vst v4;
	v4 =	vld [tilespmem:$0x1E480];
	_ =	sdelay $0x4  }
0x28: {  	[tilespmem:$0x1FF00] =	vst v4;
	v4 =	vld [tilespmem:$0x1E490];
	_ =	sdelay $0x4  }
0x29: {  	[tilespmem:$0x1FF10] =	vst v4;
	v4 =	vld [tilespmem:$0x1E4A0];
	_ =	sdelay $0x4  }
0x2a: {  	[tilespmem:$0x1FF20] =	vst v4;
	v4 =	vld [tilespmem:$0x1E4B0];
	_ =	sdelay $0x4  }
0x2b: {  	[tilespmem:$0x1FF30] =	vst v4;
	v4 =	vld [tilespmem:$0x1E4C0];
	_ =	sdelay $0x4  }
0x2c: {  	[tilespmem:$0x1FF40] =	vst v4;
	v4 =	vld [tilespmem:$0x1E4D0];
	_ =	sdelay $0x2  }
0x2d: {  	v58 =	vld [tilespmem:$0x1E400]  }
0x2e: {  	v62 =	vld [tilespmem:$0x1E410]  }
0x2f: {  	[tilespmem:$0x1FF50] =	vst v4;
	v4 =	vld [tilespmem:$0x1E4E0]  }
0x30: {  	v63 =	vld [tilespmem:$0x1E420];
	_ =	sdelay $0x1  }
0x31: {  	v57 =	vld [tilespmem:$0x1E460];
	[tilespmem:$0x1FF80] =	vst v58  }
0x32: {  	[tilespmem:$0x1FF90] =	vst v62  }
0x33: {  	[tilespmem:$0x1FF60] =	vst v4;
	v4 =	vld [tilespmem:$0x1E4F0]  }
0x34: {  	[tilespmem:$0x1FFA0] =	vst v63  }
0x35: {  	[tilespmem:s13], [sflag:$0x1] =	stream.indirect.gather [hbm4b:s0+s21], $0x80, s3, s21, $0xb8;
	[tilespmem:$0x1E500] =	vst v63  }
0x36: {  	s23 =	simm.s32 $0x1DF0;
	s24 =	simm.s32 $0x5DF0;
	[tilespmem:$0x1FFB0] =	vst v57  }
0x37: {  	[tilespmem:s14], [sflag:$0x2] =	stream.indirect.gather [hbm4b:s0+s21], $0x80, s21, s21, $0xb8;
	[tilespmem:$0x1E500] =	vst v63  }
0x38: {  	s25 =	simm.s32 $0x80;
	s26 =	simm.s32 $0x0;
	s28 =	simm.s32 $0x0;
	[tilespmem:$0x1FF70] =	vst v4  }
.LBB2_2:
0x39: {  	_ =	swait.ge [sflag:s15], $0x4000  }
0x3a: {  	p0 =	seq.s32 s28, $0x0;
	[sflag:s15] =	ssyncset.done $0x0  }
0x3b: {  	s4 =	simm.s32 @!p0 $0x3;
	[sflag:s15] =	ssyncadd.s32 $0xFFFFC000  }
0x3c: {  	_ =	swait.ge @!p0 [sflag:s4], $0x4000  }
0x3d: {  	[sflag:s4] =	ssyncset.done @!p0 $0x0  }
0x3e: {  	s11 =	simm.s32 $0xE500;
	[sflag:s4] =	ssyncadd.s32 @!p0 $0xFFFFC000  }
0x3f: {  	v4 =	vld [tilespmem:s11+$0x80]  }
0x40: {  	v6 =	vld [tilespmem:s11+$0x90]  }
0x41: {  	v8 =	vld [tilespmem:s11+$0xA0]  }
0x42: {  	s1 =	smulhi.u32 $0x51EB851F, s26;
	v12 =	vld [tilespmem:s11+$0xB0]  }
0x43: {  	v15 =	vld [tilespmem:s11+$0xC0]  }
0x44: {  	s1 =	sshrl.u32 s1, $0x6;
	v17 =	vld [tilespmem:s11+$0xD0]  }
0x45: {  	s1 =	smul.u32 $0xFFFE7000, s1;
	v19 =	vld [tilespmem:s11+$0xE0]  }
0x46: {  	v21 =	vld [tilespmem:s11+$0xF0]  }
0x47: {  	s5 =	sshra.s32 s1, $0x2;
	v23 =	vld [tilespmem:s11+$0xFFFFFF10]  }
0x48: {  	s4 =	sadd.s32 s5, s23;
	v25 =	vld [tilespmem:s11+$0xFFFFFF20]  }
0x49: {  	v5 =	vld [tilespmem:s4+$0xFFFFFF90]  }
0x4a: {  	v7 =	vld [tilespmem:s4+$0xFFFFFFA0]  }
0x4b: {  	v11 =	vld [tilespmem:s4+$0xFFFFFFB0]  }
0x4c: {  	v14 =	vld [tilespmem:s4+$0xFFFFFFC0]  }
0x4d: {  	v16 =	vld [tilespmem:s4+$0xFFFFFFD0]  }
0x4e: {  	v18 =	vld [tilespmem:s4+$0xFFFFFFE0]  }
0x4f: {  	v20 =	vld [tilespmem:s4+$0xFFFFFFF0]  }
0x50: {  	v22 =	vld [tilespmem:s4+$0x0]  }
0x51: {  	v30 =	vld [tilespmem:s11+$0xFFFFFF50]  }
0x52: {  	v13 =	vld [tilespmem:s4+$0xFFFFFE10];
	v10 =	vadd.f32 v5, v4;
	v9 =	vadd.f32 v7, v6  }
0x53: {  	v24 =	vld [tilespmem:s4+$0xFFFFFE20];
	v8 =	vadd.f32 v11, v8;
	v7 =	vadd.f32 v14, v12  }
0x54: {  	v26 =	vld [tilespmem:s4+$0xFFFFFE50];
	v5 =	vadd.f32 v16, v15;
	v4 =	vadd.f32 v18, v17  }
0x55: {  	v33 =	vld [tilespmem:s4+$0xFFFFFE60];
	v6 =	vadd.f32 v20, v19;
	v11 =	vadd.f32 v22, v21  }
0x56: {  	v48 =	vld [tilespmem:s4+$0xFFFFFE90];
	v16 =	vadd.f32 v9, v10;
	v17 =	vadd.f32 v7, v8;
	v18 =	vmul.f32 v10, v10  }
0x57: {  	v12 =	vld [tilespmem:s4+$0xFFFFFE30];
	v20 =	vadd.f32 v4, v5;
	v21 =	vmul.f32 v9, v9;
	v22 =	vmul.f32 v8, v8  }
0x58: {  	v14 =	vld [tilespmem:s11+$0xFFFFFF30];
	v27 =	vadd.f32 v11, v6;
	v28 =	vmul.f32 v7, v7;
	v29 =	vmul.f32 v5, v5  }
0x59: {  	v15 =	vld [tilespmem:s4+$0xFFFFFE40];
	v31 =	vmul.f32 v4, v4;
	v32 =	vmul.f32 v6, v6  }
0x5a: {  	v19 =	vld [tilespmem:s11+$0xFFFFFF40];
	v16 =	vadd.f32 v17, v16;
	v17 =	vadd.f32 v27, v20;
	v20 =	vmul.f32 v11, v11  }
0x5b: {  	v27 =	vld [tilespmem:s11+$0xFFFFFF60];
	v18 =	vadd.f32 v21, v18;
	v21 =	vadd.f32 v28, v22  }
0x5c: {  	v28 =	vld [tilespmem:s4+$0xFFFFFE70];
	v22 =	vadd.f32 v31, v29;
	v20 =	vadd.f32 v20, v32  }
0x5d: {  	v29 =	vld [tilespmem:s11+$0xFFFFFF70];
	v16 =	vadd.f32 v17, v16  }
0x5e: {  	v31 =	vld [tilespmem:s11+$0xFFFFFF80];
	v18 =	vadd.f32 v21, v18;
	v20 =	vadd.f32 v20, v22  }
0x5f: {  	v50 =	vadd.f32 v26, v19;
	v19 =	vld [tilespmem:s11+$0xFFFFFFA0];
	v21 =	vadd.f32 v24, v23  }
0x60: {  	v17 =	vld [tilespmem:s4+$0xFFFFFE80];
	v23 =	vperm.xlane v16, v0;
	v22 =	vadd.f32 v12, v25;
	v18 =	vadd.f32 v20, v18  }
0x61: {  	v49 =	vadd.f32 v15, v14;
	v12 =	vld [tilespmem:s4+$0xFFFFFEA0]  }
0x62: {  	v20 =	vld [tilespmem:s11+$0xFFFFFF90];
	v15 =	vadd.f32 v16, v23;
	[tilespmem:$0x1FD50] =	vst v22;
	v16 =	vperm.xlane v18, v0  }
0x63: {  	v23 =	vadd.f32 v33, v30;
	v52 =	vld [tilespmem:s4+$0xFFFFFEB0];
	[tilespmem:$0x1FD60] =	vst v49  }
0x64: {  	v16 =	vadd.f32 v16, v18;
	v18 =	vld [tilespmem:s11+$0xFFFFFFB0];
	[tilespmem:$0x1FD70] =	vst v50  }
0x65: {  	v51 =	vmul.f32 v22, v22;
	v14 =	vadd.f32 v49, v22;
	v22 =	vadd.f32 v28, v27;
	v28 =	vld [tilespmem:s4+$0xFFFFFEC0];
	[tilespmem:$0x1FD80] =	vst v23  }
0x66: {  	v34 =	vperm.xlane v15, v1;
	v37 =	vld [tilespmem:s11+$0xFFFFFFC0]  }
0x67: {  	v27 =	vadd.f32 v23, v50;
	v36 =	vmul.f32 v23, v23;
	v23 =	vadd.f32 v17, v29;
	v38 =	vld [tilespmem:s4+$0xFFFFFED0]  }
0x68: {  	v15 =	vadd.f32 v15, v34;
	v53 =	vperm.xlane v16, v1;
	v55 =	vld [tilespmem:s11+$0xFFFFFFD0];
	[tilespmem:$0x1FD90] =	vst v22  }
0x69: {  	[tilespmem:$0x1FDA0] =	vst v23  }
0x6a: {  	v56 =	vadd.f32 v48, v31;
	v54 =	vperm.xlane v15, v2;
	v16 =	vadd.f32 v53, v16;
	v39 =	vld [tilespmem:s4+$0xFFFFFEE0]  }
0x6b: {  	v17 =	vmul.f32 v22, v22;
	v31 =	vadd.f32 v23, v22;
	v22 =	vadd.f32 v12, v20;
	v20 =	vld [tilespmem:s11+$0xFFFFFFE0]  }
0x6c: {  	v12 =	vadd.f32 v15, v54;
	v61 =	vld [tilespmem:s4+$0xFFFFFF00];
	v15 =	vperm.xlane v16, v2  }
0x6d: {  	v45 =	vadd.f32 v31, v27;
	v27 =	vld [tilespmem:s4+$0xFFFFFEF0]  }
0x6e: {  	v30 =	vmul.f32 v49, v49;
	v49 =	vadd.f32 v28, v18;
	v28 =	vld [tilespmem:s11+$0x0];
	v15 =	vadd.f32 v15, v16  }
0x6f: {  	v35 =	vmul.f32 v50, v50;
	v59 =	vmul.f32 v23, v23;
	v23 =	vadd.f32 v52, v19;
	v16 =	vld [tilespmem:s11+$0xFFFFFFF0];
	[tilespmem:$0x1FDB0] =	vst v56  }
0x70: {  	[tilespmem:$0x1FDC0] =	vst v22;
	v18 =	vperm.xlane v15, v3  }
0x71: {  	v44 =	vadd.f32 v30, v51;
	v35 =	vadd.f32 v36, v35;
	v52 =	vld [tilespmem:s4+$0xFFFFFF10];
	[tilespmem:$0x1FDD0] =	vst v23  }
0x72: {  	v17 =	vadd.f32 v59, v17;
	v40 =	vperm.xlane v12, v3;
	v15 =	vadd.f32 v18, v15;
	v18 =	vld [tilespmem:s11+$0x10];
	[tilespmem:$0x1FDE0] =	vst v49  }
0x73: {  	v50 =	vadd.f32 v22, v56;
	v53 =	vadd.f32 v38, v37;
	v54 =	vld [tilespmem:s4+$0xFFFFFF20]  }
0x74: {  	v19 =	vmul.f32 v22, v22;
	v12 =	vadd.f32 v12, v40;
	v22 =	vadd.f32 v39, v55;
	v43 =	vld [tilespmem:s11+$0x20]  }
0x75: {  	v51 =	vmul.f32 v23, v23;
	v41 =	vadd.f32 v49, v23;
	v23 =	vadd.f32 v27, v20;
	v20 =	vld [tilespmem:s4+$0xFFFFFF30];
	[tilespmem:$0x1FDF0] =	vst v53  }
0x76: {  	v60 =	vmul.f32 v56, v56;
	[tilespmem:$0x1FE00] =	vst v22  }
0x77: {  	v17 =	vadd.f32 v17, v35;
	v42 =	vmul.f32 v49, v49;
	v12 =	vmul.f32 $7.812500000e-03, v12;
	v47 =	vld [tilespmem:s11+$0x30]  }
0x78: {  	v27 =	vadd.f32 v22, v53;
	v59 =	vmul.f32 v22, v22;
	v22 =	vadd.f32 v61, v16;
	v16 =	vld [tilespmem:s4+$0xFFFFFF40]  }
0x79: {  	v19 =	vadd.f32 v19, v60;
	v56 =	vadd.f32 v42, v51;
	v49 =	vld [tilespmem:s11+$0x40];
	[tilespmem:$0x1FE10] =	vst v23  }
0x7a: {  	v39 =	vadd.f32 v41, v50;
	v55 =	vmul.f32 v12, v12;
	v15 =	vmul.f32 $7.812500000e-03, v15;
	[tilespmem:$0x1FE20] =	vst v22  }
0x7b: {  	v46 =	vmul.f32 v53, v53;
	v19 =	vadd.f32 v56, v19;
	v61 =	vadd.f32 v52, v28;
	v51 =	vld [tilespmem:s4+$0xFFFFFF50]  }
0x7c: {  	v60 =	vmul.f32 v23, v23;
	v28 =	vadd.f32 v22, v23;
	v15 =	vsub.f32 v15, v55;
	v36 =	vld [tilespmem:s11+$0x50]  }
0x7d: {  	v46 =	vadd.f32 v59, v46;
	v50 =	vmul.f32 v22, v22;
	v52 =	vld [tilespmem:s4+$0xFFFFFF60];
	v22 =	vadd.f32 v54, v18  }
0x7e: {  	v37 =	vld [tilespmem:s11+$0x60];
	[tilespmem:$0x1FE30] =	vst v61;
	v27 =	vadd.f32 v28, v27;
	v15 =	vadd.f32 $9.999999960e-13, v15  }
0x7f: {  	v28 =	vmul.f32 v61, v61;
	v33 =	vadd.f32 v50, v60;
	v23 =	vadd.f32 v20, v43;
	[tilespmem:$0x1FE40] =	vst v22  }
0x80: {  	v27 =	vadd.f32 v27, v39;
	v18 =	vshrl.u32 v15, $0x1;
	v15 =	vmul.f32 $5.000000000e-01, v15;
	v54 =	vld [tilespmem:s4+$0xFFFFFF70]  }
0x81: {  	v39 =	vadd.f32 v16, v47;
	v38 =	vadd.f32 v22, v61;
	v18 =	vsub.s32 $0x5F3759DF, v18;
	v40 =	vld [tilespmem:s11+$0x70]  }
0x82: {  	v53 =	vmul.f32 v22, v22;
	v22 =	vadd.f32 v51, v49;
	v42 =	vld [tilespmem:s4+$0xFFFFFF80];
	[tilespmem:$0x1FE50] =	vst v23;
	v20 =	vmul.f32 v18, v15  }
0x83: {  	[tilespmem:$0x1FE60] =	vst v39;
	v60 =	vadd.f32 v39, v23;
	v61 =	vadd.f32 v52, v36  }
0x84: {  	v56 =	vperm.xlane v27, v0;
	v53 =	vadd.f32 v53, v28;
	v55 =	vld [tilespmem:s11+$0xFFFFFF00];
	v16 =	vmul.f32 v18, v20  }
0x85: {  	v25 =	vmul.f32 v22, v22;
	v26 =	vadd.f32 v61, v22;
	v34 =	vmul.f32 v61, v61  }
0x86: {  	v41 =	vmul.f32 v23, v23;
	v20 =	vadd.f32 v33, v46;
	v16 =	vsub.f32 $1.500000000e+00, v16  }
0x87: {  	v28 =	vmul.f32 v39, v39;
	v33 =	vadd.f32 v27, v56;
	v46 =	vadd.f32 v34, v25  }
0x88: {  	v19 =	vadd.f32 v20, v19;
	v23 =	vadd.f32 v54, v37;
	v16 =	vmul.f32 v18, v16  }
0x89: {  	v48 =	vmul.f32 v21, v21;
	[tilespmem:$0x1FE70] =	vst v22;
	v22 =	vadd.f32 v42, v40;
	v40 =	vadd.f32 v13, v55  }
0x8a: {  	v20 =	vadd.f32 v28, v41;
	v18 =	vadd.f32 v60, v38;
	v32 =	vmul.f32 v16, v15  }
0x8b: {  	v13 =	vmul.f32 v23, v23;
	v36 =	vadd.f32 v22, v23;
	v37 =	vadd.f32 v21, v40  }
0x8c: {  	v20 =	vadd.f32 v20, v53;
	v38 =	vmul.f32 v40, v40;
	v35 =	vmul.f32 v32, v16  }
0x8d: {  	v39 =	vmul.f32 v22, v22;
	v50 =	vadd.f32 v36, v26;
	v14 =	vadd.f32 v14, v37  }
0x8e: {  	v55 =	vadd.f32 v48, v38;
	v49 =	vsub.f32 $1.500000000e+00, v35  }
0x8f: {  	v56 =	vperm.xlane v33, v1;
	v13 =	vadd.f32 v39, v13;
	v14 =	vadd.f32 v45, v14  }
0x90: {  	v18 =	vadd.f32 v50, v18;
	v44 =	vadd.f32 v44, v55;
	v16 =	vmul.f32 v49, v16  }
0x91: {  	v24 =	vadd.f32 v33, v56;
	v13 =	vadd.f32 v13, v46;
	v60 =	vperm.xlane v14, v0  }
0x92: {  	v59 =	vperm.xlane v18, v0;
	v17 =	vadd.f32 v17, v44;
	v15 =	vmul.f32 v16, v15  }
0x93: {  	v41 =	vperm.xlane v19, v0;
	v13 =	vadd.f32 v13, v20;
	v14 =	vadd.f32 v14, v60  }
0x94: {  	v18 =	vadd.f32 v18, v59;
	v20 =	vperm.xlane v17, v0;
	v15 =	vmul.f32 v15, v16  }
0x95: {  	v19 =	vadd.f32 v41, v19;
	v25 =	vperm.xlane v13, v0;
	v32 =	vperm.xlane v14, v1  }
0x96: {  	v26 =	vperm.xlane v18, v1;
	v17 =	vadd.f32 v20, v17;
	v15 =	vsub.f32 $1.500000000e+00, v15  }
0x97: {  	[tilespmem:$0x1FE80] =	vst v61;
	v61 =	vperm.xlane v19, v1;
	v13 =	vadd.f32 v25, v13;
	v14 =	vadd.f32 v14, v32  }
0x98: {  	v16 =	vmul.f32 v15, v16;
	v15 =	vadd.f32 v18, v26;
	v18 =	vperm.xlane v17, v1  }
0x99: {  	v19 =	vadd.f32 v61, v19;
	v20 =	vperm.xlane v24, v2;
	v33 =	vperm.xlane v13, v1  }
0x9a: {  	v48 =	vperm.xlane v14, v2;
	v47 =	vperm.xlane v15, v2;
	v17 =	vadd.f32 v18, v17  }
0x9b: {  	v13 =	vadd.f32 v33, v13;
	v18 =	vadd.f32 v24, v20;
	v20 =	vperm.xlane v19, v2  }
0x9c: {  	v14 =	vadd.f32 v14, v48;
	v15 =	vadd.f32 v15, v47;
	v35 =	vperm.xlane v17, v2  }
0x9d: {  	v36 =	vperm.xlane v13, v2;
	v37 =	vperm.xlane v18, v3;
	v19 =	vadd.f32 v20, v19  }
0x9e: {  	v20 =	vperm.xlane v14, v3;
	v17 =	vadd.f32 v35, v17;
	v38 =	vperm.xlane v15, v3  }
0x9f: {  	v13 =	vadd.f32 v36, v13;
	v18 =	vadd.f32 v18, v37;
	v39 =	vperm.xlane v19, v3  }
0xa0: {  	v14 =	vadd.f32 v14, v20;
	v20 =	vperm.xlane v17, v3;
	v44 =	vadd.f32 v15, v38  }
0xa1: {  	v19 =	vadd.f32 v39, v19;
	v15 =	vmul.f32 $7.812500000e-03, v18;
	v18 =	vperm.xlane v13, v3  }
0xa2: {  	v50 =	vmul.f32 $7.812500000e-03, v14;
	v17 =	vadd.f32 v20, v17;
	v55 =	vmul.f32 $7.812500000e-03, v44  }
0xa3: {  	[tilespmem:$0x1FEA0] =	vst v21;
	v21 =	vld [tilespmem:$0x1FEF0];
	v14 =	vmul.f32 $7.812500000e-03, v19;
	v19 =	vmul.f32 v15, v15;
	v13 =	vadd.f32 v18, v13  }
0xa4: {  	[tilespmem:$0x1FE90] =	vst v23;
	v23 =	vld [tilespmem:$0x1FEC0];
	v18 =	vmul.f32 v50, v50;
	v17 =	vmul.f32 $7.812500000e-03, v17  }
0xa5: {  	v14 =	vsub.f32 v14, v19;
	v13 =	vmul.f32 $7.812500000e-03, v13;
	v19 =	vmul.f32 v55, v55  }
0xa6: {  	v17 =	vsub.f32 v17, v18  }
0xa7: {  	v13 =	vsub.f32 v13, v19  }
0xa8: {  	v34 =	vmul.f32 v16, v21;
	v14 =	vadd.f32 $9.999999960e-13, v14;
	v17 =	vadd.f32 $9.999999960e-13, v17  }
0xa9: {  	v41 =	vmul.f32 v16, v63;
	v32 =	vmul.f32 v16, v23;
	v13 =	vadd.f32 $9.999999960e-13, v13  }
0xaa: {  	v60 =	vshrl.u32 v14, $0x1;
	v61 =	vshrl.u32 v17, $0x1;
	v17 =	vmul.f32 $5.000000000e-01, v17  }
0xab: {  	v24 =	vshrl.u32 v13, $0x1;
	v13 =	vmul.f32 $5.000000000e-01, v13;
	v46 =	vsub.s32 $0x5F3759DF, v61  }
0xac: {  	v14 =	vmul.f32 $5.000000000e-01, v14;
	v47 =	vsub.s32 $0x5F3759DF, v24;
	v25 =	vmul.f32 v46, v17  }
0xad: {  	v11 =	vmul.f32 v34, v11;
	v45 =	vsub.s32 $0x5F3759DF, v60;
	v33 =	vmul.f32 v47, v13  }
0xae: {  	v26 =	vmul.f32 v45, v14;
	v48 =	vmul.f32 v46, v25  }
0xaf: {  	v59 =	vmul.f32 v32, v12;
	v52 =	vmul.f32 v47, v33  }
0xb0: {  	v37 =	vmul.f32 v41, v12;
	v49 =	vmul.f32 v45, v26;
	v48 =	vsub.f32 $1.500000000e+00, v48  }
0xb1: {  	v39 =	vmul.f32 v32, v7;
	v20 =	vmul.f32 v34, v12;
	v52 =	vsub.f32 $1.500000000e+00, v52  }
0xb2: {  	v44 =	vmul.f32 v41, v8;
	v49 =	vsub.f32 $1.500000000e+00, v49;
	v46 =	vmul.f32 v46, v48  }
0xb3: {  	v18 =	vmul.f32 v16, v58;
	v47 =	vmul.f32 v47, v52  }
0xb4: {  	v24 =	vld [tilespmem:$0x1FED0];
	v45 =	vmul.f32 v45, v49;
	v48 =	vmul.f32 v46, v17  }
0xb5: {  	v19 =	vmul.f32 v16, v62;
	v38 =	vmul.f32 v47, v13  }
0xb6: {  	v36 =	vmul.f32 v45, v14;
	v48 =	vmul.f32 v48, v46  }
0xb7: {  	v27 =	vmov v58;
	v56 =	vmul.f32 v18, v12;
	v58 =	vmul.f32 v38, v47  }
0xb8: {  	v18 =	vmul.f32 v18, v10;
	v25 =	vld [tilespmem:$0x1FEE0];
	v52 =	vmul.f32 v36, v45;
	v48 =	vsub.f32 $1.500000000e+00, v48  }
0xb9: {  	v34 =	vmul.f32 v16, v24;
	v49 =	vmul.f32 v19, v12;
	v58 =	vsub.f32 $1.500000000e+00, v58  }
0xba: {  	v31 =	vld [tilespmem:$0x1FF10];
	v19 =	vmul.f32 v19, v9;
	v52 =	vsub.f32 $1.500000000e+00, v52;
	v46 =	vmul.f32 v48, v46  }
0xbb: {  	v60 =	vmul.f32 v34, v12;
	v10 =	vmul.f32 v58, v47  }
0xbc: {  	v45 =	vmul.f32 v52, v45;
	v17 =	vmul.f32 v46, v17  }
0xbd: {  	v35 =	vmul.f32 v16, v25;
	v9 =	vmul.f32 v10, v13  }
0xbe: {  	v14 =	vmul.f32 v45, v14;
	v13 =	vmul.f32 v17, v46  }
0xbf: {  	v49 =	vsub.f32 v31, v49;
	v16 =	vmul.f32 v16, v57;
	v17 =	vld [tilespmem:$0x1FF70];
	v8 =	vmul.f32 v9, v10  }
0xc0: {  	[tilespmem:$0x1FEB0] =	vst v22;
	v22 =	vld [tilespmem:$0x1FF20];
	v61 =	vmul.f32 v35, v12;
	v14 =	vmul.f32 v14, v45;
	v7 =	vsub.f32 $1.500000000e+00, v13  }
0xc1: {  	v29 =	vld [tilespmem:$0x1FF00];
	v12 =	vmul.f32 v16, v12;
	v13 =	vmul.f32 v34, v5;
	v5 =	vsub.f32 $1.500000000e+00, v8  }
0xc2: {  	v30 =	vmovc v62;
	v62 =	vmul.f32 v16, v6;
	v9 =	vsub.f32 $1.500000000e+00, v14;
	v6 =	vmul.f32 v7, v46  }
0xc3: {  	v49 =	vadd.f32 v49, v19;
	v41 =	vmul.f32 v35, v4;
	v33 =	vmul.f32 v5, v10;
	v7 =	vld [tilespmem:$0x1FF30]  }
0xc4: {  	v43 =	vmovc v63;
	v17 =	vsub.f32 v17, v20;
	v20 =	vmul.f32 v9, v45;
	v58 =	vmul.f32 v6, v27  }
0xc5: {  	v34 =	vsub.f32 v22, v37;
	v48 =	vmul.f32 v6, v30;
	v51 =	vmul.f32 v6, v43  }
0xc6: {  	v26 =	vmovc v57;
	v5 =	vsub.f32 v29, v56;
	v46 =	vmul.f32 v6, v23;
	v47 =	vmul.f32 v6, v24  }
0xc7: {  	v56 =	vadd.f32 v34, v44;
	v4 =	vmul.f32 v6, v25;
	v10 =	vmul.f32 v6, v26  }
0xc8: {  	v19 =	vmul.f32 v33, v30;
	v35 =	vsub.f32 v7, v59;
	v7 =	vmul.f32 v6, v21;
	v6 =	vld [tilespmem:$0x1FF40]  }
0xc9: {  	v28 =	vld [tilespmem:$0x1FF60];
	v5 =	vadd.f32 v5, v18;
	v44 =	vmul.f32 v33, v43;
	v18 =	vmul.f32 v33, v23  }
0xca: {  	v54 =	vmul.f32 v33, v26;
	v52 =	vmul.f32 v33, v21  }
0xcb: {  	v42 =	vadd.f32 v17, v11;
	v11 =	vmul.f32 v20, v27;
	v45 =	vmul.f32 v20, v30  }
0xcc: {  	v17 =	vmul.f32 v20, v43;
	v14 =	vmul.f32 v20, v23  }
0xcd: {  	v16 =	vmul.f32 v20, v24;
	v8 =	vmul.f32 v20, v25;
	v36 =	vsub.f32 v6, v60;
	v6 =	vld [tilespmem:$0x1FF50]  }
0xce: {  	s11 =	simm.s32 $0x16500;
	v38 =	vsub.f32 v28, v12;
	v9 =	vmul.f32 v20, v26;
	v12 =	vmul.f32 v20, v21  }
0xcf: {  	v20 =	vmul.f32 v33, v27;
	v43 =	vmul.f32 v51, v50;
	[tilespmem:s11+$0xF0] =	vst v42  }
0xd0: {  	s12 =	smulhi.u32 $0x51EB851F, s25;
	v63 =	vmul.f32 v4, v50;
	v59 =	vmul.f32 v45, v15;
	v57 =	vadd.f32 v35, v39;
	[tilespmem:s11+$0x80] =	vst v5  }
0xd1: {  	v34 =	vmovc v1;
	v35 =	vmov v2;
	v5 =	vmul.f32 v33, v25;
	[tilespmem:s11+$0x90] =	vst v49;
	v42 =	vmul.f32 v48, v50  }
0xd2: {  	s1 =	sshrl.u32 s12, $0x6;
	[tilespmem:s11+$0xB0] =	vst v57;
	v57 =	vmul.f32 v46, v50;
	v13 =	vadd.f32 v36, v13;
	v37 =	vsub.f32 v6, v61  }
0xd3: {  	s1 =	smul.u32 $0xFFFE7000, s1;
	[tilespmem:s11+$0xA0] =	vst v56;
	v49 =	vmul.f32 v47, v50;
	v60 =	vsub.f32 v31, v42;
	v61 =	vadd.f32 v38, v62  }
0xd4: {  	s29 =	sshll.u32 s28, $0xA;
	[tilespmem:s11+$0xC0] =	vst v13;
	v13 =	vmul.f32 v10, v50;
	v39 =	vadd.f32 v37, v41;
	v41 =	vmul.f32 v58, v50  }
0xd5: {  	s31 =	sshll.u32 s28, $0x8;
	s12 =	simm.s32 $0x0;
	s1 =	sshra.s32 s1, $0x2;
	v36 =	vmovc v3;
	v6 =	vmul.f32 v33, v24;
	v62 =	vmul.f32 v11, v15;
	v33 =	vmov v0;
	[tilespmem:s11+$0xE0] =	vst v61  }
0xd6: {  	s5 =	simm.s32 $0xE700;
	s30 =	sadd.s32 s1, s24;
	s1 =	simm.s32 $0x16500;
	v50 =	vmul.f32 v7, v50;
	v61 =	vsub.f32 v22, v43;
	v53 =	vsub.f32 v29, v41;
	[tilespmem:s11+$0xD0] =	vst v39  }
.LBB2_3:
0xd7: {  	v2 =	vld [tilespmem:$0x1FF50]  }
0xd8: {  	v39 =	vld [tilespmem:$0x1FF20];
	_ =	sdelay $0x1  }
0xd9: {  	v41 =	vld [tilespmem:$0x1FF30]  }
0xda: {  	v43 =	vmul.f32 v58, v40;
	v40 =	vld [tilespmem:$0x1FF00];
	v22 =	vmul.f32 v17, v15  }
0xdb: {  	v0 =	vld [tilespmem:$0x1FF40];
	v3 =	vsub.f32 v2, v63  }
0xdc: {  	v38 =	vld [tilespmem:$0x1FF70];
	v23 =	vmul.f32 v14, v15;
	v22 =	vsub.f32 v39, v22  }
0xdd: {  	[tilespmem:$0x1FBE0] =	vst v3;
	v3 =	vsub.f32 v28, v13;
	v13 =	vmul.f32 v20, v55  }
0xde: {  	[tilespmem:$0x1FC30] =	vst v22;
	v22 =	vsub.f32 v41, v23;
	v23 =	vld [tilespmem:$0x1FEA0]  }
0xdf: {  	v37 =	vmul.f32 v8, v15;
	v13 =	vsub.f32 v40, v13  }
0xe0: {  	v31 =	vsub.f32 v31, v59;
	v59 =	vld [tilespmem:$0x1FF60];
	v56 =	vsub.f32 v0, v49;
	v49 =	vmul.f32 v16, v15  }
0xe1: {  	v26 =	vsub.f32 v38, v50;
	[tilespmem:$0x1FCC0] =	vst v13;
	v13 =	vld [tilespmem:$0x1FF10]  }
0xe2: {  	v50 =	vmov v0;
	v0 =	vsub.f32 v0, v49;
	v49 =	vsub.f32 v2, v37;
	v37 =	vld [tilespmem:$0x1FD60]  }
0xe3: {  	v23 =	vmul.f32 v48, v23;
	v48 =	vld [tilespmem:$0x1FD80]  }
0xe4: {  	[tilespmem:$0x1FBF0] =	vst v3;
	v3 =	vmul.f32 v19, v55  }
0xe5: {  	v58 =	vld [tilespmem:$0x1FD50];
	v29 =	vsub.f32 v29, v62;
	v63 =	vmul.f32 v9, v15  }
0xe6: {  	v62 =	vmul.f32 v6, v55;
	v3 =	vsub.f32 v13, v3;
	v13 =	vld [tilespmem:$0x1FD70]  }
0xe7: {  	[tilespmem:$0x1FC10] =	vst v29;
	v29 =	vmul.f32 v5, v55;
	v63 =	vsub.f32 v59, v63  }
0xe8: {  	v59 =	vmul.f32 v46, v37;
	v46 =	vmul.f32 v4, v48;
	v4 =	vsub.f32 v50, v62  }
0xe9: {  	[tilespmem:$0x1FC00] =	vst v26;
	v26 =	vmul.f32 v44, v55  }
0xea: {  	v27 =	vmul.f32 v18, v55;
	[tilespmem:$0x1FD10] =	vst v4;
	v4 =	vsub.f32 v2, v29  }
0xeb: {  	[tilespmem:$0x1FC70] =	vst v49;
	v49 =	vmul.f32 v51, v58;
	v58 =	vmul.f32 v47, v13;
	v13 =	vsub.f32 v39, v26  }
0xec: {  	[tilespmem:$0x1FD20] =	vst v4;
	v4 =	vld [tilespmem:$0x1FD90]  }
0xed: {  	[tilespmem:$0x1FCF0] =	vst v13;
	v13 =	vsub.f32 v41, v27;
	v27 =	vld [tilespmem:$0x1FF60];
	_ =	sdelay $0x2  }
0xee: {  	v21 =	vld [tilespmem:s5+$0x80];
	[tilespmem:$0x1FC20] =	vst v31;
	v31 =	vmul.f32 v54, v55  }
0xef: {  	v1 =	vld [tilespmem:s5+$0x90]  }
0xf0: {  	v25 =	vld [tilespmem:s5+$0xA0];
	v55 =	vmul.f32 v52, v55;
	v10 =	vmul.f32 v10, v4;
	v4 =	vsub.f32 v27, v31  }
0xf1: {  	s4 =	sadd.s32 $0x200, s4;
	v30 =	vld [tilespmem:s5+$0xB0]  }
0xf2: {  	v24 =	vld [tilespmem:s4+$0xFFFFFF90];
	[tilespmem:$0x1FD30] =	vst v4;
	v4 =	vsub.f32 v38, v55  }
0xf3: {  	v42 =	vld [tilespmem:s4+$0xFFFFFFA0]  }
0xf4: {  	[tilespmem:$0x1FD40] =	vst v4;
	v4 =	vld [tilespmem:$0x1FDA0]  }
0xf5: {  	v32 =	vld [tilespmem:s4+$0xFFFFFFC0]  }
0xf6: {  	v15 =	vmul.f32 v12, v15;
	v28 =	vld [tilespmem:s4+$0xFFFFFFB0]  }
0xf7: {  	[tilespmem:$0x1FC40] =	vst v22;
	v22 =	vld [tilespmem:s5+$0xC0]  }
0xf8: {  	v15 =	vsub.f32 v38, v15;
	[tilespmem:$0x1FC50] =	vst v0;
	v0 =	vld [tilespmem:s4+$0xFFFFFFD0]  }
0xf9: {  	v7 =	vmul.f32 v7, v4;
	v4 =	vld [tilespmem:$0x1FDB0]  }
0xfa: {  	[tilespmem:$0x1FCA0] =	vst v15;
	v15 =	vld [tilespmem:s5+$0xD0]  }
0xfb: {  	v40 =	vld [tilespmem:$0x1FE20]  }
0xfc: {  	[tilespmem:$0x1FCE0] =	vst v3;
	v3 =	vld [tilespmem:s4+$0xFFFFFFE0]  }
0xfd: {  	v29 =	vadd.f32 v53, v43;
	v43 =	vld [tilespmem:s4+$0xFFFFFE10]  }
0xfe: {  	v11 =	vmul.f32 v11, v4;
	v4 =	vld [tilespmem:$0x1FDC0]  }
0xff: {  	[tilespmem:s11+$0xFFFFFF00] =	vst v29;
	v29 =	vadd.f32 v61, v49;
	v49 =	vld [tilespmem:$0x1FDF0]  }
0x100: {  	v53 =	vld [tilespmem:$0x1FE00]  }
0x101: {  	v26 =	vld [tilespmem:s4+$0xFFFFFFF0]  }
0x102: {  	v62 =	vadd.f32 v3, v15;
	v3 =	vld [tilespmem:$0x1FE30]  }
0x103: {  	v45 =	vmul.f32 v45, v4;
	v4 =	vld [tilespmem:$0x1FDD0]  }
0x104: {  	[tilespmem:$0x1FD00] =	vst v13;
	v13 =	vld [tilespmem:s5+$0xE0];
	v2 =	vmul.f32 v16, v49  }
0x105: {  	v16 =	vadd.f32 v42, v1;
	v1 =	vmul.f32 v8, v53;
	v8 =	vadd.f32 v32, v30;
	v32 =	vld [tilespmem:$0x1FE10]  }
0x106: {  	v27 =	vld [tilespmem:s5+$0xF0]  }
0x107: {  	v31 =	vld [tilespmem:s4+$0x0]  }
0x108: {  	v23 =	vadd.f32 v60, v23;
	v51 =	vmul.f32 v17, v4;
	v4 =	vld [tilespmem:$0x1FDE0];
	_ =	sdelay $0x1  }
0x109: {  	v37 =	vld [tilespmem:s5+$0xFFFFFF10];
	[tilespmem:s11+$0xFFFFFF10] =	vst v23;
	v30 =	vmul.f32 v62, v62  }
0x10a: {  	v3 =	vmul.f32 v20, v3;
	v55 =	vld [tilespmem:s4+$0xFFFFFE20];
	v42 =	vmul.f32 v9, v32;
	v9 =	vadd.f32 v0, v22  }
0x10b: {  	[tilespmem:$0x1FC80] =	vst v1;
	v0 =	vmul.f32 v12, v40;
	v12 =	vadd.f32 v26, v13;
	v15 =	vadd.f32 v31, v27  }
0x10c: {  	v1 =	vld [tilespmem:s5+$0xFFFFFFD0];
	[tilespmem:s11+$0xFFFFFF20] =	vst v29;
	v17 =	vadd.f32 v24, v21;
	v48 =	vmul.f32 v14, v4;
	v14 =	vadd.f32 v28, v25  }
0x10d: {  	[tilespmem:$0x1FC60] =	vst v2;
	v2 =	vld [tilespmem:s5+$0xFFFFFF20];
	v23 =	vadd.f32 v62, v9;
	v29 =	vmul.f32 v9, v9;
	v27 =	vadd.f32 v15, v12  }
0x10e: {  	v47 =	vld [tilespmem:s4+$0xFFFFFE30];
	v13 =	vadd.f32 v16, v17;
	v28 =	vmul.f32 v8, v8;
	v25 =	vmul.f32 v14, v14  }
0x10f: {  	[tilespmem:$0x1FCD0] =	vst v3;
	v3 =	vld [tilespmem:s5+$0xFFFFFF30];
	v4 =	vadd.f32 v55, v37;
	v20 =	vadd.f32 v8, v14  }
0x110: {  	v49 =	vmul.f32 v16, v16;
	v37 =	vadd.f32 v28, v25;
	v28 =	vadd.f32 v30, v29;
	v29 =	vld [tilespmem:$0x1FE40]  }
0x111: {  	v60 =	vld [tilespmem:s5+$0xFFFFFF40];
	v31 =	vmul.f32 v12, v12;
	v21 =	vmul.f32 v17, v17  }
0x112: {  	v61 =	vld [tilespmem:s4+$0xFFFFFE50];
	v13 =	vadd.f32 v20, v13;
	v20 =	vadd.f32 v27, v23;
	v23 =	vmul.f32 v15, v15  }
0x113: {  	[tilespmem:$0x1FC90] =	vst v63;
	v63 =	vld [tilespmem:s5+$0xFFFFFF50]  }
0x114: {  	v21 =	vadd.f32 v49, v21;
	v27 =	vld [tilespmem:s4+$0xFFFFFE60];
	v23 =	vadd.f32 v23, v31  }
0x115: {  	v19 =	vmul.f32 v19, v29;
	v29 =	vadd.f32 v47, v2;
	v2 =	vadd.f32 v20, v13;
	v13 =	vld [tilespmem:$0x1FE50]  }
0x116: {  	v20 =	vadd.f32 v37, v21;
	v21 =	vadd.f32 v23, v28;
	v23 =	vld [tilespmem:$0x1FE60]  }
0x117: {  	v22 =	vld [tilespmem:s4+$0xFFFFFE40]  }
0x118: {  	v40 =	vld [tilespmem:s4+$0xFFFFFE70]  }
0x119: {  	v25 =	vld [tilespmem:s5+$0xFFFFFF60]  }
0x11a: {  	v53 =	vld [tilespmem:s4+$0xFFFFFE80];
	v28 =	vadd.f32 v61, v60;
	v27 =	vadd.f32 v27, v63;
	v44 =	vmul.f32 v44, v13  }
0x11b: {  	v20 =	vadd.f32 v21, v20;
	v13 =	vld [tilespmem:s5+$0xFFFFFF70];
	v18 =	vmul.f32 v18, v23;
	v23 =	vperm.xlane v2, v33  }
0x11c: {  	v49 =	vadd.f32 v22, v3;
	v22 =	vld [tilespmem:s5+$0xFFFFFF80];
	v32 =	vmul.f32 v28, v28;
	v47 =	vadd.f32 v27, v28  }
0x11d: {  	v37 =	vld [tilespmem:s4+$0xFFFFFE90];
	[tilespmem:$0x1FD80] =	vst v27;
	v27 =	vmul.f32 v27, v27;
	v2 =	vadd.f32 v2, v23;
	v23 =	vperm.xlane v20, v33  }
0x11e: {  	v3 =	vmul.f32 v29, v29;
	[tilespmem:$0x1FD50] =	vst v29;
	v60 =	vadd.f32 v49, v29;
	v29 =	vadd.f32 v40, v25;
	v40 =	vld [tilespmem:s5+$0xFFFFFF90]  }
0x11f: {  	[tilespmem:$0x1FD60] =	vst v49;
	v21 =	vmul.f32 v49, v49;
	v20 =	vadd.f32 v23, v20;
	v23 =	vadd.f32 v27, v32;
	v27 =	vld [tilespmem:$0x1FE70]  }
0x120: {  	[tilespmem:$0x1FD70] =	vst v28;
	v49 =	vld [tilespmem:s5+$0xFFFFFFA0];
	v28 =	vadd.f32 v53, v13  }
0x121: {  	v61 =	vadd.f32 v21, v3;
	v3 =	vld [tilespmem:s4+$0xFFFFFEA0];
	v13 =	vperm.xlane v2, v34  }
0x122: {  	v21 =	vmul.f32 v29, v29;
	[tilespmem:$0x1FD90] =	vst v29;
	v32 =	vadd.f32 v28, v29;
	v29 =	vld [tilespmem:$0x1FE80]  }
0x123: {  	v53 =	vld [tilespmem:s4+$0xFFFFFEB0];
	v2 =	vadd.f32 v2, v13;
	v13 =	vperm.xlane v20, v34  }
0x124: {  	v30 =	vadd.f32 v37, v22;
	v22 =	vld [tilespmem:s5+$0xFFFFFFB0];
	v6 =	vmul.f32 v6, v27;
	v27 =	vmul.f32 v28, v28  }
0x125: {  	v37 =	vld [tilespmem:s5+$0xFFFFFFC0];
	v13 =	vadd.f32 v13, v20  }
0x126: {  	[tilespmem:$0x1FDA0] =	vst v28;
	v28 =	vld [tilespmem:s4+$0xFFFFFEC0];
	v63 =	vadd.f32 v32, v47;
	v20 =	vadd.f32 v27, v21  }
0x127: {  	v32 =	vld [tilespmem:$0x1FE90];
	v5 =	vmul.f32 v5, v29;
	v29 =	vadd.f32 v3, v40;
	v3 =	vperm.xlane v2, v35  }
0x128: {  	v31 =	vadd.f32 v53, v49;
	v21 =	vld [tilespmem:s4+$0xFFFFFED0]  }
0x129: {  	v53 =	vadd.f32 v20, v23;
	v20 =	vld [tilespmem:s4+$0xFFFFFEE0];
	v2 =	vadd.f32 v2, v3;
	v3 =	vperm.xlane v13, v35  }
0x12a: {  	v40 =	vmul.f32 v30, v30;
	v23 =	vadd.f32 v29, v30;
	[tilespmem:$0x1FDC0] =	vst v29;
	v47 =	vmul.f32 v29, v29;
	v29 =	vld [tilespmem:$0x1FEB0]  }
0x12b: {  	v27 =	vmul.f32 v31, v31;
	v28 =	vadd.f32 v28, v22;
	v22 =	vld [tilespmem:s5+$0xFFFFFFE0];
	v3 =	vadd.f32 v3, v13  }
0x12c: {  	v57 =	vsub.f32 v41, v57;
	v54 =	vmul.f32 v54, v32;
	v49 =	vperm.xlane v2, v36;
	v13 =	vld [tilespmem:s4+$0xFFFFFEF0]  }
0x12d: {  	[tilespmem:$0x1FCB0] =	vst v0;
	v0 =	vld [tilespmem:s5+$0xFFFFFFF0];
	v24 =	vadd.f32 v47, v40;
	v32 =	vadd.f32 v21, v37;
	v21 =	vperm.xlane v3, v36  }
0x12e: {  	v37 =	vld [tilespmem:s4+$0xFFFFFF00];
	v40 =	vadd.f32 v28, v31;
	[tilespmem:$0x1FDE0] =	vst v28;
	v28 =	vmul.f32 v28, v28;
	v2 =	vadd.f32 v2, v49  }
0x12f: {  	v47 =	vld [tilespmem:s5+$0x0];
	v52 =	vmul.f32 v52, v29;
	v29 =	vadd.f32 v20, v1;
	v3 =	vadd.f32 v21, v3  }
0x130: {  	v49 =	vld [tilespmem:s4+$0xFFFFFF10];
	v20 =	vmul.f32 $7.812500000e-03, v2;
	v2 =	vadd.f32 v40, v23;
	v21 =	vmul.f32 v32, v32  }
0x131: {  	[tilespmem:$0x1FDB0] =	vst v30;
	v1 =	vld [tilespmem:s5+$0x60];
	v23 =	vadd.f32 v28, v27;
	v30 =	vadd.f32 v13, v22;
	v28 =	vmul.f32 v29, v29  }
0x132: {  	v13 =	vld [tilespmem:s5+$0x10];
	v27 =	vadd.f32 v29, v32;
	v3 =	vmul.f32 $7.812500000e-03, v3;
	v22 =	vmul.f32 v20, v20  }
0x133: {  	[tilespmem:$0x1FDD0] =	vst v31;
	v31 =	vadd.f32 v37, v0;
	v37 =	vld [tilespmem:s5+$0x20];
	v23 =	vadd.f32 v23, v24  }
0x134: {  	v24 =	vld [tilespmem:s4+$0xFFFFFF20];
	v21 =	vadd.f32 v28, v21;
	v3 =	vsub.f32 v3, v22  }
0x135: {  	[tilespmem:$0x1FE00] =	vst v29;
	v28 =	vadd.f32 v57, v59;
	v40 =	vadd.f32 v49, v47;
	v22 =	vld [tilespmem:s4+$0xFFFFFF30]  }
0x136: {  	v47 =	vld [tilespmem:s5+$0x30];
	[tilespmem:$0x1FE10] =	vst v30;
	v49 =	vadd.f32 v31, v30;
	v3 =	vadd.f32 $9.999999960e-13, v3  }
0x137: {  	v0 =	vmul.f32 v30, v30;
	v29 =	vmul.f32 v31, v31;
	v30 =	vld [tilespmem:s4+$0xFFFFFF40];
	[tilespmem:s11+$0xFFFFFF30] =	vst v28;
	v28 =	vadd.f32 v56, v58  }
0x138: {  	v26 =	vadd.f32 v49, v27;
	v27 =	vld [tilespmem:s4+$0xFFFFFF50];
	v59 =	vshrl.u32 v3, $0x1;
	v3 =	vmul.f32 $5.000000000e-01, v3  }
0x139: {  	v0 =	vadd.f32 v29, v0;
	v58 =	vadd.f32 v24, v13;
	v13 =	vld [tilespmem:s5+$0x40];
	v24 =	vsub.s32 $0x5F3759DF, v59  }
0x13a: {  	v55 =	vmul.f32 v4, v4;
	[tilespmem:s11+$0xFFFFFF40] =	vst v28;
	v49 =	vadd.f32 v22, v37;
	v22 =	vld [tilespmem:s5+$0x50];
	v28 =	vmul.f32 v24, v3  }
0x13b: {  	[tilespmem:$0x1FE20] =	vst v31;
	v31 =	vmul.f32 v40, v40;
	v2 =	vadd.f32 v26, v2;
	v0 =	vadd.f32 v0, v21;
	v37 =	vld [tilespmem:s4+$0xFFFFFF60]  }
0x13c: {  	[tilespmem:$0x1FDF0] =	vst v32;
	v21 =	vld [tilespmem:s4+$0xFFFFFF70];
	v25 =	vadd.f32 v58, v40;
	v29 =	vmul.f32 v58, v58;
	v28 =	vmul.f32 v24, v28  }
0x13d: {  	[tilespmem:$0x1FE30] =	vst v40;
	v40 =	vadd.f32 v30, v47;
	v32 =	vperm.xlane v2, v33;
	v0 =	vadd.f32 v0, v23;
	v23 =	vld [tilespmem:s4+$0xFFFFFF80]  }
0x13e: {  	v30 =	vmul.f32 v49, v49;
	v47 =	vadd.f32 v27, v13;
	v13 =	vld [tilespmem:s5+$0x70];
	v28 =	vsub.f32 $1.500000000e+00, v28  }
0x13f: {  	v29 =	vadd.f32 v29, v31;
	[tilespmem:$0x1FE50] =	vst v49;
	v31 =	vadd.f32 v40, v49;
	v49 =	vld [tilespmem:s5+$0xFFFFFF00];
	v27 =	vmul.f32 v40, v40  }
0x140: {  	[tilespmem:$0x1FE60] =	vst v40;
	v2 =	vadd.f32 v2, v32;
	v40 =	vadd.f32 v37, v22;
	v24 =	vmul.f32 v24, v28  }
0x141: {  	v25 =	vadd.f32 v31, v25;
	v22 =	vmul.f32 v47, v47;
	v27 =	vadd.f32 v27, v30  }
0x142: {  	v30 =	vadd.f32 v21, v1;
	[tilespmem:$0x1FE70] =	vst v47;
	v47 =	vadd.f32 v40, v47;
	v21 =	vmul.f32 v24, v3  }
0x143: {  	v28 =	vmul.f32 v40, v40;
	v27 =	vadd.f32 v27, v29;
	v29 =	vadd.f32 v23, v13  }
0x144: {  	[tilespmem:$0x1FE80] =	vst v40;
	v40 =	vadd.f32 v43, v49;
	v13 =	vmul.f32 v30, v30;
	v21 =	vmul.f32 v21, v24  }
0x145: {  	v22 =	vadd.f32 v28, v22;
	v28 =	vadd.f32 v29, v30;
	[tilespmem:$0x1FEB0] =	vst v29;
	v29 =	vmul.f32 v29, v29  }
0x146: {  	[tilespmem:$0x1FE90] =	vst v30;
	v31 =	vmul.f32 v40, v40;
	v30 =	vadd.f32 v4, v40;
	v21 =	vsub.f32 $1.500000000e+00, v21  }
0x147: {  	v1 =	vadd.f32 v28, v47;
	v13 =	vadd.f32 v29, v13  }
0x148: {  	v55 =	vadd.f32 v55, v31;
	v49 =	vadd.f32 v60, v30;
	v21 =	vmul.f32 v21, v24  }
0x149: {  	v37 =	vperm.xlane v0, v33;
	v1 =	vadd.f32 v1, v25;
	v13 =	vadd.f32 v13, v22  }
0x14a: {  	v56 =	vadd.f32 v61, v55;
	v22 =	vadd.f32 v63, v49;
	v3 =	vmul.f32 v21, v3  }
0x14b: {  	v23 =	vperm.xlane v2, v34;
	v25 =	vperm.xlane v1, v33;
	v13 =	vadd.f32 v13, v27  }
0x14c: {  	v24 =	vadd.f32 v53, v56;
	v57 =	vperm.xlane v22, v33;
	v3 =	vmul.f32 v3, v21  }
0x14d: {  	v2 =	vadd.f32 v2, v23;
	v1 =	vadd.f32 v1, v25;
	v23 =	vperm.xlane v13, v33  }
0x14e: {  	[tilespmem:$0x1FE40] =	vst v58;
	v53 =	vld [tilespmem:$0x1FEF0];
	v58 =	vperm.xlane v24, v33;
	v22 =	vadd.f32 v22, v57;
	v3 =	vsub.f32 $1.500000000e+00, v3  }
0x14f: {  	v0 =	vadd.f32 v37, v0;
	v27 =	vperm.xlane v1, v34;
	v13 =	vadd.f32 v23, v13  }
0x150: {  	v23 =	vadd.f32 v58, v24;
	v3 =	vmul.f32 v3, v21;
	v21 =	vperm.xlane v22, v34  }
0x151: {  	v28 =	vperm.xlane v0, v34;
	v59 =	vperm.xlane v2, v35;
	v1 =	vadd.f32 v1, v27  }
0x152: {  	v60 =	vperm.xlane v13, v34;
	v21 =	vadd.f32 v22, v21;
	v22 =	vperm.xlane v23, v34  }
0x153: {  	v0 =	vadd.f32 v28, v0;
	v63 =	vperm.xlane v1, v35;
	v61 =	vmul.f32 v3, v53  }
0x154: {  	v2 =	vadd.f32 v2, v59;
	v27 =	vperm.xlane v21, v35;
	v22 =	vadd.f32 v22, v23  }
0x155: {  	v13 =	vadd.f32 v60, v13;
	v1 =	vadd.f32 v1, v63;
	v32 =	vmul.f32 v61, v20  }
0x156: {  	v23 =	vperm.xlane v0, v35;
	v21 =	vadd.f32 v21, v27;
	v37 =	vperm.xlane v22, v35  }
0x157: {  	v15 =	vmul.f32 v61, v15;
	v24 =	vsub.f32 v38, v32;
	v38 =	vperm.xlane v13, v35  }
0x158: {  	v0 =	vadd.f32 v23, v0;
	v23 =	vperm.xlane v21, v36;
	v22 =	vadd.f32 v37, v22  }
0x159: {  	v43 =	vperm.xlane v1, v36;
	v27 =	vperm.xlane v2, v36  }
0x15a: {  	[tilespmem:$0x1FEA0] =	vst v4;
	v4 =	vld [tilespmem:$0x1FBE0];
	v13 =	vadd.f32 v38, v13;
	v21 =	vadd.f32 v21, v23;
	v23 =	vperm.xlane v22, v36  }
0x15b: {  	v15 =	vadd.f32 v24, v15;
	v2 =	vadd.f32 v2, v27;
	v47 =	vperm.xlane v0, v36  }
0x15c: {  	s11 =	sadd.s32 $0x200, s11;
	v31 =	vld [tilespmem:$0x1FBF0];
	v49 =	vperm.xlane v13, v36;
	v22 =	vadd.f32 v23, v22;
	v56 =	vmul.f32 $7.812500000e-03, v21  }
0x15d: {  	v1 =	vadd.f32 v1, v43;
	[tilespmem:s11+$0xF0] =	vst v15;
	v0 =	vadd.f32 v47, v0;
	v15 =	vmul.f32 $7.812500000e-03, v2  }
0x15e: {  	v2 =	vadd.f32 v49, v13;
	v13 =	vmul.f32 $7.812500000e-03, v22;
	v21 =	vmul.f32 v56, v56  }
0x15f: {  	v4 =	vadd.f32 v4, v46;
	v55 =	vmul.f32 $7.812500000e-03, v1  }
0x160: {  	v0 =	vmul.f32 $7.812500000e-03, v0;
	v57 =	vmul.f32 v15, v15;
	v13 =	vsub.f32 v13, v21  }
0x161: {  	v10 =	vadd.f32 v31, v10;
	v59 =	vmul.f32 v55, v55;
	v58 =	vmul.f32 $7.812500000e-03, v2  }
0x162: {  	[tilespmem:s1+$0xFFFFFF50] =	vst v4;
	v0 =	vsub.f32 v0, v57;
	v4 =	vadd.f32 $9.999999960e-13, v13  }
0x163: {  	v31 =	vld [tilespmem:$0x1FC00];
	v1 =	vsub.f32 v58, v59  }
0x164: {  	[tilespmem:s1+$0xFFFFFF60] =	vst v10;
	v10 =	vld [tilespmem:$0x1FC10];
	v0 =	vadd.f32 $9.999999960e-13, v0;
	v32 =	vshrl.u32 v4, $0x1;
	v4 =	vmul.f32 $5.000000000e-01, v4  }
0x165: {  	v37 =	vld [tilespmem:$0x1FFA0];
	v1 =	vadd.f32 $9.999999960e-13, v1;
	v25 =	vsub.s32 $0x5F3759DF, v32  }
0x166: {  	v61 =	vld [tilespmem:$0x1FF80];
	v60 =	vshrl.u32 v0, $0x1;
	v0 =	vmul.f32 $5.000000000e-01, v0;
	v27 =	vmul.f32 v25, v4  }
0x167: {  	v63 =	vld [tilespmem:$0x1FF90];
	v24 =	vsub.s32 $0x5F3759DF, v60;
	v43 =	vshrl.u32 v1, $0x1;
	v1 =	vmul.f32 $5.000000000e-01, v1  }
0x168: {  	v28 =	vmul.f32 v24, v0;
	v26 =	vsub.s32 $0x5F3759DF, v43;
	v27 =	vmul.f32 v25, v27  }
0x169: {  	v10 =	vadd.f32 v10, v11;
	v29 =	vmul.f32 v26, v1  }
0x16a: {  	v46 =	vld [tilespmem:$0x1FF00];
	v2 =	vmul.f32 v3, v37;
	v28 =	vmul.f32 v24, v28;
	v11 =	vsub.f32 $1.500000000e+00, v27  }
0x16b: {  	v7 =	vadd.f32 v31, v7;
	v38 =	vld [tilespmem:$0x1FEC0];
	v21 =	vmul.f32 v3, v61;
	v29 =	vmul.f32 v26, v29  }
0x16c: {  	[tilespmem:s1+$0xFFFFFF80] =	vst v10;
	v47 =	vld [tilespmem:$0x1FF10];
	v22 =	vmul.f32 v3, v63;
	v27 =	vsub.f32 $1.500000000e+00, v28;
	v10 =	vmul.f32 v25, v11  }
0x16d: {  	[tilespmem:s1+$0xFFFFFF70] =	vst v7;
	v31 =	vmul.f32 v2, v20;
	v28 =	vmul.f32 v21, v20;
	v7 =	vsub.f32 $1.500000000e+00, v29  }
0x16e: {  	v57 =	vld [tilespmem:$0x1FED0];
	v11 =	vmul.f32 v24, v27;
	v27 =	vmul.f32 v10, v4  }
0x16f: {  	v29 =	vmul.f32 v22, v20;
	v7 =	vmul.f32 v26, v7  }
0x170: {  	v59 =	vld [tilespmem:$0x1FEE0];
	v24 =	vsub.f32 v46, v28;
	v28 =	vmul.f32 v11, v0;
	v27 =	vmul.f32 v27, v10  }
0x171: {  	v13 =	vmul.f32 v3, v38;
	v25 =	vsub.f32 v47, v29;
	v29 =	vsub.f32 v39, v31  }
0x172: {  	v60 =	vld [tilespmem:$0x1FFB0];
	v31 =	vmul.f32 v7, v1;
	v28 =	vmul.f32 v28, v11;
	v27 =	vsub.f32 $1.500000000e+00, v27  }
0x173: {  	v23 =	vmul.f32 v3, v57;
	v49 =	vmul.f32 v13, v20  }
0x174: {  	v31 =	vmul.f32 v31, v7;
	v28 =	vsub.f32 $1.500000000e+00, v28;
	v10 =	vmul.f32 v27, v10  }
0x175: {  	v13 =	vmul.f32 v13, v8;
	v8 =	vld [tilespmem:$0x1FC90];
	v30 =	vmul.f32 v3, v59  }
0x176: {  	v31 =	vsub.f32 $1.500000000e+00, v31;
	v11 =	vmul.f32 v28, v11;
	v28 =	vld [tilespmem:$0x1FF60];
	v4 =	vmul.f32 v10, v4  }
0x177: {  	v58 =	vmul.f32 v23, v20;
	v3 =	vmul.f32 v3, v60  }
0x178: {  	v7 =	vmul.f32 v31, v7;
	v4 =	vmul.f32 v4, v10  }
0x179: {  	v32 =	vsub.f32 v50, v58;
	v58 =	vmul.f32 v30, v20;
	v20 =	vmul.f32 v3, v20  }
0x17a: {  	v8 =	vadd.f32 v8, v42;
	v1 =	vmul.f32 v7, v1;
	v4 =	vsub.f32 $1.500000000e+00, v4  }
0x17b: {  	v27 =	vsub.f32 v28, v20;
	v20 =	vmul.f32 v22, v16;
	v22 =	vmul.f32 v23, v9;
	v9 =	vld [tilespmem:$0x1FCB0]  }
0x17c: {  	[tilespmem:s1+$0xFFFFFFE0] =	vst v8;
	v8 =	vmul.f32 v4, v10;
	v4 =	vld [tilespmem:$0x1FCA0]  }
0x17d: {  	v1 =	vmul.f32 v1, v7  }
0x17e: {  	v21 =	vmul.f32 v21, v17;
	v17 =	vld [tilespmem:$0x1FF50]  }
0x17f: {  	v26 =	vsub.f32 v41, v49;
	v49 =	vld [tilespmem:$0x1FC20];
	v1 =	vsub.f32 $1.500000000e+00, v1  }
0x180: {  	v16 =	vld [tilespmem:$0x1FC30]  }
0x181: {  	v1 =	vmul.f32 v1, v7;
	v7 =	vld [tilespmem:$0x1FCC0];
	v4 =	vadd.f32 v4, v9  }
0x182: {  	v0 =	vmul.f32 v11, v0;
	v9 =	vld [tilespmem:$0x1FCD0]  }
0x183: {  	[tilespmem:s1+$0xFFFFFFF0] =	vst v4;
	v4 =	vld [tilespmem:$0x1FCF0]  }
0x184: {  	v45 =	vadd.f32 v49, v45;
	v49 =	vsub.f32 v17, v58;
	v17 =	vld [tilespmem:$0x1FC40];
	v0 =	vmul.f32 v0, v11  }
0x185: {  	v16 =	vadd.f32 v16, v51  }
0x186: {  	v2 =	vmul.f32 v2, v14;
	v14 =	vld [tilespmem:$0x1FC50];
	v21 =	vadd.f32 v24, v21;
	v0 =	vsub.f32 $1.500000000e+00, v0  }
0x187: {  	v43 =	vmov v39;
	v3 =	vmul.f32 v3, v12;
	[tilespmem:s1+$0xFFFFFFA0] =	vst v16;
	v16 =	vld [tilespmem:$0x1FC60];
	v7 =	vadd.f32 v7, v9  }
0x188: {  	v2 =	vadd.f32 v29, v2;
	[tilespmem:s11+$0x80] =	vst v21;
	v0 =	vmul.f32 v0, v11;
	v11 =	vadd.f32 v4, v44;
	v4 =	vld [tilespmem:$0x1FD00]  }
0x189: {  	v13 =	vadd.f32 v26, v13;
	v17 =	vadd.f32 v17, v48;
	v23 =	vmul.f32 v30, v62;
	[tilespmem:s1+$0x0] =	vst v7;
	v7 =	vld [tilespmem:$0x1FD10]  }
0x18a: {  	[tilespmem:s11+$0xA0] =	vst v2;
	v39 =	vadd.f32 v25, v20;
	v58 =	vmul.f32 v8, v61;
	v48 =	vmul.f32 v8, v63  }
0x18b: {  	[tilespmem:s1+$0xFFFFFFB0] =	vst v17;
	v17 =	vld [tilespmem:$0x1FC80];
	v41 =	vadd.f32 v32, v22;
	v51 =	vmul.f32 v8, v37;
	v46 =	vmul.f32 v8, v38  }
0x18c: {  	[tilespmem:s11+$0xB0] =	vst v13;
	v47 =	vmul.f32 v8, v57;
	v10 =	vmul.f32 v8, v60;
	v14 =	vadd.f32 v14, v16;
	v16 =	vld [tilespmem:$0x1FC70]  }
0x18d: {  	[tilespmem:s1+$0xFFFFFF90] =	vst v45;
	v45 =	vmul.f32 v0, v63;
	v20 =	vmul.f32 v1, v61;
	v9 =	vld [tilespmem:$0x1FCE0];
	v12 =	vadd.f32 v4, v18  }
0x18e: {  	[tilespmem:s11+$0x90] =	vst v39;
	v4 =	vmul.f32 v8, v59;
	v6 =	vadd.f32 v7, v6;
	v7 =	vmul.f32 v8, v53;
	v8 =	vld [tilespmem:$0x1FD20]  }
0x18f: {  	[tilespmem:s11+$0xC0] =	vst v41;
	v21 =	vmul.f32 v48, v56;
	v22 =	vmul.f32 v51, v56  }
0x190: {  	v42 =	vadd.f32 v49, v23;
	v49 =	vmul.f32 v47, v56;
	v13 =	vmul.f32 v10, v56;
	[tilespmem:s1+$0xFFFFFFC0] =	vst v14  }
0x191: {  	v14 =	vmul.f32 v0, v38;
	v44 =	vmul.f32 v1, v37;
	v16 =	vadd.f32 v16, v17;
	[tilespmem:s1+$0x40] =	vst v6;
	v6 =	vld [tilespmem:$0x1FD40]  }
0x192: {  	v29 =	vld [tilespmem:$0x1FF00];
	[tilespmem:s1+$0x20] =	vst v11;
	v11 =	vmul.f32 v0, v61;
	v17 =	vmul.f32 v0, v37;
	v9 =	vadd.f32 v9, v19  }
0x193: {  	v19 =	vmul.f32 v1, v63;
	v63 =	vmul.f32 v58, v56;
	[tilespmem:s1+$0xFFFFFFD0] =	vst v16;
	v5 =	vadd.f32 v8, v5;
	v8 =	vld [tilespmem:$0x1FD30]  }
0x194: {  	s12 =	sadd.s32 $0x4, s12;
	v16 =	vmul.f32 v0, v57;
	v62 =	vmul.f32 v11, v15;
	[tilespmem:s1+$0x10] =	vst v9  }
0x195: {  	p1 =	slt.u32 s12, $0x7C;
	v31 =	vld [tilespmem:$0x1FF10];
	v3 =	vadd.f32 v27, v3;
	v9 =	vmul.f32 v0, v60;
	[tilespmem:s1+$0x30] =	vst v12;
	v12 =	vmul.f32 v0, v53  }
.Ltmp2:
0x196: {  	v50 =	vmul.f32 v7, v56;
	v6 =	vadd.f32 v6, v52;
	[tilespmem:s1+$0x50] =	vst v5;
	v5 =	vmul.f32 v1, v59;
	(pc) =	sbr.rel @p1 .LBB2_3-.Ltmp2, $4  }
0x197: {  	[tilespmem:s11+$0xD0] =	vst v42;
	v52 =	vmul.f32 v1, v53;
	v53 =	vsub.f32 v29, v63;
	v63 =	vmul.f32 v4, v56  }
0x198: {  	[tilespmem:s1+$0x70] =	vst v6;
	v6 =	vmul.f32 v1, v57;
	v57 =	vmul.f32 v46, v56;
	v18 =	vadd.f32 v8, v54  }
0x199: {  	[tilespmem:s11+$0xE0] =	vst v3;
	v61 =	vsub.f32 v43, v22;
	v8 =	vmul.f32 v0, v59;
	v54 =	vmul.f32 v1, v60  }
0x19a: {  	s5 =	sadd.s32 $0x200, s5;
	v60 =	vsub.f32 v31, v21;
	v59 =	vmul.f32 v45, v15;
	[tilespmem:s1+$0x60] =	vst v18;
	s1 =	smov.u32 s11;
	v18 =	vmul.f32 v1, v38  }
0x19b: {  	v1 =	vld [tilespmem:$0x1FEA0]  }
0x19c: {  	v2 =	vld [tilespmem:$0x1FD50]  }
0x19d: {  	v3 =	vld [tilespmem:$0x1FD60]  }
0x19e: {  	v21 =	vld [tilespmem:$0x1FD70]  }
0x19f: {  	v22 =	vld [tilespmem:$0x1FD80]  }
0x1a0: {  	v27 =	vld [tilespmem:$0x1FF30]  }
0x1a1: {  	v23 =	vld [tilespmem:$0x1FD90]  }
0x1a2: {  	v26 =	vld [tilespmem:$0x1FF40]  }
0x1a3: {  	v0 =	vmul.f32 v58, v40;
	v24 =	vld [tilespmem:$0x1FDA0]  }
0x1a4: {  	v25 =	vld [tilespmem:$0x1FF50];
	v1 =	vmul.f32 v48, v1  }
0x1a5: {  	v0 =	vadd.f32 v53, v0;
	v2 =	vmul.f32 v51, v2;
	v3 =	vmul.f32 v46, v3;
	v46 =	vld [tilespmem:$0x1FDC0]  }
0x1a6: {  	v13 =	vsub.f32 v28, v13;
	v1 =	vadd.f32 v60, v1;
	v60 =	vld [tilespmem:$0x1FF70]  }
0x1a7: {  	v43 =	vld [tilespmem:$0x1FDB0];
	v40 =	vsub.f32 v27, v57;
	v2 =	vadd.f32 v61, v2;
	[tilespmem:s11+$0xFFFFFF00] =	vst v0  }
0x1a8: {  	v21 =	vmul.f32 v47, v21;
	v4 =	vmul.f32 v4, v22;
	v41 =	vsub.f32 v26, v49;
	v51 =	vld [tilespmem:$0x1FDD0];
	[tilespmem:s11+$0xFFFFFF10] =	vst v1  }
0x1a9: {  	v10 =	vmul.f32 v10, v23;
	v42 =	vsub.f32 v25, v63;
	v3 =	vadd.f32 v40, v3;
	[tilespmem:s11+$0xFFFFFF20] =	vst v2  }
0x1aa: {  	v57 =	vsub.f32 v31, v59;
	v21 =	vadd.f32 v41, v21;
	v23 =	vmul.f32 v45, v46;
	v59 =	vld [tilespmem:$0x1FF20]  }
0x1ab: {  	v4 =	vadd.f32 v42, v4;
	v61 =	vld [tilespmem:$0x1FDE0];
	[tilespmem:s11+$0xFFFFFF30] =	vst v3;
	v47 =	vsub.f32 v60, v50  }
0x1ac: {  	v7 =	vmul.f32 v7, v24;
	v50 =	vsub.f32 v29, v62;
	v62 =	vadd.f32 v57, v23;
	v23 =	vld [tilespmem:$0x1FDF0]  }
0x1ad: {  	v11 =	vmul.f32 v11, v43;
	v49 =	vmul.f32 v17, v15;
	v48 =	vadd.f32 v13, v10;
	[tilespmem:s11+$0xFFFFFF40] =	vst v21  }
0x1ae: {  	v63 =	vmul.f32 v14, v15;
	v24 =	vmul.f32 v16, v15;
	v30 =	vld [tilespmem:$0x1FE00];
	[tilespmem:s1+$0xFFFFFF50] =	vst v4  }
0x1af: {  	v53 =	vmul.f32 v17, v51;
	v56 =	vadd.f32 v47, v7;
	v33 =	vld [tilespmem:$0x1FE10];
	[tilespmem:s1+$0xFFFFFF60] =	vst v48;
	v10 =	vsub.f32 v59, v49  }
0x1b0: {  	v58 =	vadd.f32 v50, v11;
	v7 =	vsub.f32 v27, v63;
	v11 =	vmul.f32 v14, v61;
	v36 =	vld [tilespmem:$0x1FE20];
	[tilespmem:s1+$0xFFFFFF90] =	vst v62  }
0x1b1: {  	v14 =	vsub.f32 v26, v24;
	[tilespmem:s1+$0xFFFFFF70] =	vst v56;
	v13 =	vmul.f32 v16, v23;
	v10 =	vadd.f32 v10, v53  }
0x1b2: {  	[tilespmem:s1+$0xFFFFFF80] =	vst v58;
	v38 =	vadd.f32 v7, v11  }
0x1b3: {  	v43 =	vld [tilespmem:$0x1FE30];
	v39 =	vadd.f32 v14, v13;
	[tilespmem:s1+$0xFFFFFFA0] =	vst v10  }
0x1b4: {  	v32 =	vmul.f32 v8, v15;
	v34 =	vmul.f32 v9, v15;
	v45 =	vld [tilespmem:$0x1FE40];
	[tilespmem:s1+$0xFFFFFFB0] =	vst v38  }
0x1b5: {  	v35 =	vmul.f32 v12, v15;
	v40 =	vmul.f32 v20, v55;
	[tilespmem:s1+$0xFFFFFFC0] =	vst v39  }
0x1b6: {  	v42 =	vmul.f32 v19, v55;
	v4 =	vsub.f32 v25, v32;
	v16 =	vmul.f32 v8, v30;
	v48 =	vld [tilespmem:$0x1FE50]  }
0x1b7: {  	v0 =	vsub.f32 v28, v34;
	v49 =	vmul.f32 v44, v55;
	v8 =	vmul.f32 v9, v33  }
0x1b8: {  	v9 =	vsub.f32 v60, v35;
	v37 =	vmul.f32 v12, v36;
	v41 =	vadd.f32 v4, v16  }
0x1b9: {  	v7 =	vsub.f32 v29, v40;
	v0 =	vadd.f32 v0, v8;
	v11 =	vmul.f32 v20, v43  }
0x1ba: {  	v4 =	vsub.f32 v31, v42;
	v46 =	vadd.f32 v9, v37;
	[tilespmem:s1+$0xFFFFFFD0] =	vst v41;
	v8 =	vmul.f32 v19, v45  }
0x1bb: {  	v9 =	vsub.f32 v59, v49;
	v51 =	vld [tilespmem:$0x1FE60];
	[tilespmem:s1+$0xFFFFFFE0] =	vst v0;
	v47 =	vadd.f32 v7, v11;
	v7 =	vmul.f32 v44, v48  }
0x1bc: {  	v0 =	vld [tilespmem:$0x1FE70];
	[tilespmem:s1+$0xFFFFFFF0] =	vst v46;
	v50 =	vadd.f32 v4, v8  }
0x1bd: {  	v1 =	vld [tilespmem:$0x1FE80];
	[tilespmem:s1+$0x0] =	vst v47;
	v7 =	vadd.f32 v9, v7  }
0x1be: {  	[tilespmem:s1+$0x10] =	vst v50  }
0x1bf: {  	v53 =	vmul.f32 v18, v55;
	v61 =	vld [tilespmem:$0x1FE90];
	[tilespmem:s1+$0x20] =	vst v7  }
0x1c0: {  	v57 =	vmul.f32 v5, v55;
	v56 =	vmul.f32 v6, v55;
	v62 =	vld [tilespmem:$0x1FEB0]  }
0x1c1: {  	v58 =	vmul.f32 v54, v55;
	v8 =	vsub.f32 v27, v53;
	v4 =	vmul.f32 v18, v51  }
0x1c2: {  	v59 =	vmul.f32 v52, v55;
	v0 =	vmul.f32 v6, v0;
	v6 =	vsub.f32 v26, v56  }
0x1c3: {  	v1 =	vmul.f32 v5, v1;
	v4 =	vadd.f32 v8, v4;
	v5 =	vsub.f32 v25, v57  }
0x1c4: {  	v2 =	vsub.f32 v28, v58;
	v0 =	vadd.f32 v6, v0;
	v8 =	vmul.f32 v54, v61  }
0x1c5: {  	p1 =	sne.s32 s28, $0x18;
	v3 =	vsub.f32 v60, v59;
	v1 =	vadd.f32 v5, v1;
	[tilespmem:s1+$0x30] =	vst v4;
	v6 =	vmul.f32 v52, v62  }
.Ltmp3:
0x1c6: {  	[tilespmem:s1+$0x40] =	vst v0;
	v2 =	vadd.f32 v2, v8;
	(pc) =	sbr.rel @p1 .LBB2_6-.Ltmp3, $4  }
0x1c7: {  	s4 =	sadd.s32 s7, s31;
	[tilespmem:s1+$0x50] =	vst v1;
	v63 =	vadd.f32 v3, v6  }
0x1c8: {  	s4 =	sshll.u32 s4, $0x4;
	[tilespmem:s1+$0x60] =	vst v2  }
0x1c9: {  	s12 =	sadd.s32 s2, s4;
	[tilespmem:s1+$0x70] =	vst v63  }
0x1ca: {  	[hbm4b:s12+s3] =	stream.linear.scatter [tilespmem:s16], [sflag:$0x3], $0x4000, $0x38;
	[tilespmem:$0x1E500] =	vst v63  }
0x1cb: {  	_ =	swait.ge [sflag:s17], $0x4000  }
0x1cc: {  	v62 =	vld [tilespmem:$0x1FF90]  }
0x1cd: {  	v38 =	vld [tilespmem:$0x1FFA0]  }
.Ltmp4:
0x1ce: {  	v54 =	vld [tilespmem:$0x1FEC0];
	(pc) =	sbr.rel .LBB2_7-.Ltmp4, $4  }
0x1cf: {  	v55 =	vld [tilespmem:$0x1FED0]  }
0x1d0: {  	v56 =	vld [tilespmem:$0x1FEE0]  }
0x1d1: {  	[sflag:s17] =	ssyncset.done $0x0;
	v57 =	vld [tilespmem:$0x1FFB0]  }
0x1d2: {  	v58 =	vld [tilespmem:$0x1FEF0];
	[sflag:s17] =	ssyncadd.s32 $0xFFFFC000  }
.LBB2_6:
0x1d3: {  	s1 =	sshrl.u32 s29, $0x2  }
0x1d4: {  	s1 =	sadd.s32 $0x100, s1  }
0x1d5: {  	[tilespmem:s13], [sflag:$0x1] =	stream.indirect.gather [hbm4b:s0+s21], $0x80, s1, s21, $0xb8;
	[tilespmem:$0x1E500] =	vst v63  }
0x1d6: {  	_ =	swait.ge [sflag:s17], $0x4000  }
0x1d7: {  	v62 =	vld [tilespmem:$0x1FF90]  }
0x1d8: {  	v38 =	vld [tilespmem:$0x1FFA0]  }
.Ltmp5:
0x1d9: {  	v54 =	vld [tilespmem:$0x1FEC0];
	(pc) =	sbr.rel @p0 .LBB2_8-.Ltmp5, $4  }
0x1da: {  	v55 =	vld [tilespmem:$0x1FED0]  }
0x1db: {  	v56 =	vld [tilespmem:$0x1FEE0]  }
0x1dc: {  	[sflag:s17] =	ssyncset.done $0x0;
	v57 =	vld [tilespmem:$0x1FFB0]  }
0x1dd: {  	v58 =	vld [tilespmem:$0x1FEF0];
	[sflag:s17] =	ssyncadd.s32 $0xFFFFC000  }
.LBB2_7:
0x1de: {  	_ =	swait.ge [sflag:s18], $0x4000  }
0x1df: {  	[sflag:s18] =	ssyncset.done $0x0  }
0x1e0: {  	[sflag:s18] =	ssyncadd.s32 $0xFFFFC000  }
.LBB2_8:
0x1e1: {  	v1 =	vld [tilespmem:s30+$0xFFFFFF90]  }
0x1e2: {  	v3 =	vld [tilespmem:s30+$0xFFFFFFA0]  }
0x1e3: {  	v5 =	vld [tilespmem:s30+$0xFFFFFFB0]  }
0x1e4: {  	v7 =	vld [tilespmem:s30+$0xFFFFFFC0]  }
0x1e5: {  	v12 =	vld [tilespmem:s30+$0xFFFFFFD0]  }
0x1e6: {  	v15 =	vld [tilespmem:s30+$0xFFFFFFE0]  }
0x1e7: {  	v17 =	vld [tilespmem:s30+$0xFFFFFFF0]  }
0x1e8: {  	v19 =	vld [tilespmem:s30+$0x0]  }
0x1e9: {  	v13 =	vld [tilespmem:s30+$0xFFFFFE10]  }
0x1ea: {  	v21 =	vld [tilespmem:s30+$0xFFFFFE20]  }
0x1eb: {  	v48 =	vld [tilespmem:s30+$0xFFFFFE30]  }
0x1ec: {  	v22 =	vld [tilespmem:s30+$0xFFFFFE50]  }
0x1ed: {  	s1 =	simm.s32 $0x12500;
	v29 =	vld [tilespmem:s30+$0xFFFFFE60]  }
0x1ee: {  	v0 =	vld [tilespmem:s1+$0x80]  }
0x1ef: {  	v2 =	vld [tilespmem:s1+$0x90]  }
0x1f0: {  	v4 =	vld [tilespmem:s1+$0xA0]  }
0x1f1: {  	v6 =	vld [tilespmem:s1+$0xB0]  }
0x1f2: {  	v11 =	vld [tilespmem:s1+$0xC0]  }
0x1f3: {  	v14 =	vld [tilespmem:s1+$0xD0]  }
0x1f4: {  	v16 =	vld [tilespmem:s1+$0xE0]  }
0x1f5: {  	v18 =	vld [tilespmem:s1+$0xF0]  }
0x1f6: {  	v33 =	vld [tilespmem:$0x1FFC0]  }
0x1f7: {  	v50 =	vld [tilespmem:s30+$0xFFFFFEA0];
	v10 =	vadd.f32 v1, v0;
	v9 =	vadd.f32 v3, v2  }
0x1f8: {  	v34 =	vld [tilespmem:$0x1FFD0];
	v8 =	vadd.f32 v5, v4;
	v7 =	vadd.f32 v7, v6  }
0x1f9: {  	v35 =	vld [tilespmem:$0x1FFE0];
	v5 =	vadd.f32 v12, v11;
	v4 =	vadd.f32 v15, v14  }
0x1fa: {  	v20 =	vld [tilespmem:s1+$0xFFFFFF10];
	v6 =	vadd.f32 v17, v16;
	v11 =	vadd.f32 v19, v18  }
0x1fb: {  	v47 =	vld [tilespmem:s1+$0xFFFFFF20];
	v12 =	vadd.f32 v9, v10;
	v14 =	vadd.f32 v7, v8;
	v15 =	vmul.f32 v10, v10  }
0x1fc: {  	v49 =	vld [tilespmem:s1+$0xFFFFFF30];
	v17 =	vadd.f32 v4, v5;
	v18 =	vmul.f32 v9, v9;
	v19 =	vmul.f32 v8, v8  }
0x1fd: {  	v26 =	vld [tilespmem:s1+$0xFFFFFF50];
	v23 =	vadd.f32 v11, v6;
	v24 =	vmul.f32 v7, v7;
	v25 =	vmul.f32 v5, v5  }
0x1fe: {  	v30 =	vld [tilespmem:s1+$0xFFFFFF60];
	v27 =	vmul.f32 v4, v4;
	v28 =	vmul.f32 v6, v6  }
0x1ff: {  	v31 =	vld [tilespmem:s1+$0xFFFFFF90];
	v12 =	vadd.f32 v14, v12;
	v14 =	vadd.f32 v23, v17;
	v17 =	vmul.f32 v11, v11  }
0x200: {  	v3 =	vld [tilespmem:s30+$0xFFFFFE40];
	v15 =	vadd.f32 v18, v15;
	v18 =	vadd.f32 v24, v19  }
0x201: {  	v16 =	vld [tilespmem:s1+$0xFFFFFF40];
	v23 =	vadd.f32 v27, v25;
	v17 =	vadd.f32 v17, v28  }
0x202: {  	v19 =	vld [tilespmem:s30+$0xFFFFFE70];
	v12 =	vadd.f32 v14, v12  }
0x203: {  	v27 =	vld [tilespmem:s1+$0xFFFFFF70];
	v14 =	vadd.f32 v18, v15;
	v15 =	vadd.f32 v17, v23  }
0x204: {  	v28 =	vld [tilespmem:s30+$0xFFFFFE80]  }
0x205: {  	v18 =	vld [tilespmem:s30+$0xFFFFFE90];
	v15 =	vadd.f32 v15, v14;
	v14 =	vadd.f32 v48, v47  }
0x206: {  	v25 =	vadd.f32 v21, v20;
	v17 =	vld [tilespmem:s1+$0xFFFFFF80];
	v20 =	vperm.xlane v12, v33;
	v23 =	vadd.f32 v3, v49  }
0x207: {  	v21 =	vadd.f32 v22, v16;
	v3 =	vld [tilespmem:s1+$0xFFFFFFA0];
	v52 =	vperm.xlane v15, v33;
	[tilespmem:$0x1FA80] =	vst v14  }
0x208: {  	v22 =	vadd.f32 v29, v26;
	v51 =	vadd.f32 v12, v20;
	v16 =	vld [tilespmem:s30+$0xFFFFFEB0];
	[tilespmem:$0x1FA90] =	vst v23  }
0x209: {  	v2 =	vadd.f32 v52, v15;
	v15 =	vld [tilespmem:s1+$0xFFFFFFB0];
	[tilespmem:$0x1FAA0] =	vst v21  }
0x20a: {  	v29 =	vmul.f32 v21, v21;
	v59 =	vadd.f32 v19, v30;
	v53 =	vperm.xlane v51, v34;
	v32 =	vld [tilespmem:s30+$0xFFFFFEC0];
	[tilespmem:$0x1FAB0] =	vst v22  }
0x20b: {  	v19 =	vadd.f32 v22, v21;
	v30 =	vmul.f32 v22, v22;
	v21 =	vperm.xlane v2, v34;
	v22 =	vld [tilespmem:s1+$0xFFFFFFC0]  }
0x20c: {  	v20 =	vmul.f32 v23, v23;
	v61 =	vadd.f32 v28, v27;
	v1 =	vadd.f32 v51, v53;
	v27 =	vld [tilespmem:s30+$0xFFFFFED0]  }
0x20d: {  	v28 =	vadd.f32 v30, v29;
	v12 =	vmul.f32 v14, v14;
	v2 =	vadd.f32 v21, v2;
	v21 =	vld [tilespmem:s1+$0xFFFFFFD0];
	[tilespmem:$0x1FAC0] =	vst v59  }
0x20e: {  	v36 =	vld [tilespmem:$0x1FFF0];
	v14 =	vadd.f32 v23, v14;
	v29 =	vadd.f32 v18, v17;
	v23 =	vperm.xlane v1, v35;
	[tilespmem:$0x1FAD0] =	vst v61  }
0x20f: {  	v18 =	vmul.f32 v61, v61;
	v20 =	vadd.f32 v20, v12;
	v12 =	vmul.f32 v59, v59;
	v63 =	vld [tilespmem:s30+$0xFFFFFEE0]  }
0x210: {  	v46 =	vadd.f32 v1, v23;
	v23 =	vld [tilespmem:s1+$0xFFFFFFE0]  }
0x211: {  	v17 =	vadd.f32 v61, v59;
	v12 =	vadd.f32 v18, v12;
	v18 =	vld [tilespmem:s30+$0xFFFFFEF0]  }
0x212: {  	v45 =	vadd.f32 v50, v31;
	v48 =	vld [tilespmem:s1+$0xFFFFFFF0]  }
0x213: {  	v17 =	vadd.f32 v17, v19;
	v30 =	vadd.f32 v16, v3;
	v16 =	vld [tilespmem:s30+$0xFFFFFF00];
	v47 =	vperm.xlane v2, v35  }
0x214: {  	v19 =	vmul.f32 v29, v29;
	v3 =	vadd.f32 v12, v28;
	v12 =	vmul.f32 v45, v45;
	v28 =	vld [tilespmem:s1+$0x0];
	[tilespmem:$0x1FAE0] =	vst v29  }
0x215: {  	[tilespmem:$0x1FAF0] =	vst v45;
	v37 =	vperm.xlane v46, v36;
	v31 =	vadd.f32 v32, v15;
	v1 =	vadd.f32 v47, v2  }
0x216: {  	v39 =	vadd.f32 v45, v29;
	v42 =	vld [tilespmem:s30+$0xFFFFFF10];
	[tilespmem:$0x1FB00] =	vst v30  }
0x217: {  	v19 =	vadd.f32 v12, v19;
	v49 =	vld [tilespmem:s1+$0x10];
	v0 =	vadd.f32 v46, v37;
	[tilespmem:$0x1FB10] =	vst v31;
	v15 =	vperm.xlane v1, v36  }
0x218: {  	v37 =	vadd.f32 v27, v22;
	v27 =	vld [tilespmem:s30+$0xFFFFFF20];
	v50 =	vadd.f32 v63, v21  }
0x219: {  	v41 =	vadd.f32 v31, v30;
	v51 =	vld [tilespmem:s1+$0x20];
	v12 =	vmul.f32 $7.812500000e-03, v0;
	v1 =	vadd.f32 v15, v1  }
0x21a: {  	v40 =	vmul.f32 v30, v30;
	v29 =	vadd.f32 v18, v23;
	v18 =	vld [tilespmem:s30+$0xFFFFFF30];
	v15 =	vmul.f32 v31, v31;
	[tilespmem:$0x1FB20] =	vst v50  }
0x21b: {  	v21 =	vadd.f32 v41, v39;
	v22 =	vmul.f32 v12, v12;
	v59 =	vld [tilespmem:s30+$0xFFFFFF40];
	v1 =	vmul.f32 $7.812500000e-03, v1  }
0x21c: {  	v52 =	vmul.f32 v37, v37;
	v53 =	vadd.f32 v16, v48;
	v30 =	vadd.f32 v42, v28;
	v45 =	vld [tilespmem:s1+$0x40]  }
0x21d: {  	v23 =	vmul.f32 v50, v50;
	v15 =	vadd.f32 v15, v40;
	v1 =	vsub.f32 v1, v22;
	v22 =	vld [tilespmem:s1+$0x30];
	[tilespmem:$0x1FB30] =	vst v29  }
0x21e: {  	v43 =	vadd.f32 v50, v37;
	v28 =	vadd.f32 v53, v29;
	[tilespmem:$0x1FB40] =	vst v53  }
0x21f: {  	v15 =	vadd.f32 v15, v19;
	v19 =	vadd.f32 v23, v52;
	v46 =	vld [tilespmem:s30+$0xFFFFFF50]  }
0x220: {  	v44 =	vmul.f32 v25, v25;
	v23 =	vadd.f32 v27, v49;
	v27 =	vld [tilespmem:s1+$0x50];
	v1 =	vadd.f32 $9.999999960e-13, v1  }
0x221: {  	v16 =	vmul.f32 v29, v29;
	v61 =	vmul.f32 v53, v53;
	v28 =	vadd.f32 v28, v43;
	v47 =	vld [tilespmem:s30+$0xFFFFFF60]  }
0x222: {  	v32 =	vmul.f32 v30, v30;
	v48 =	vld [tilespmem:s1+$0x60];
	[tilespmem:$0x1FB50] =	vst v30;
	v63 =	vshrl.u32 v1, $0x1;
	v1 =	vmul.f32 $5.000000000e-01, v1  }
0x223: {  	v16 =	vadd.f32 v61, v16;
	v50 =	vadd.f32 v28, v21;
	[tilespmem:$0x1FB60] =	vst v23;
	v0 =	vsub.s32 $0x5F3759DF, v63  }
0x224: {  	v24 =	vadd.f32 v18, v51;
	v28 =	vmul.f32 v23, v23;
	v51 =	vld [tilespmem:s30+$0xFFFFFF70];
	v18 =	vmul.f32 v0, v1  }
0x225: {  	v16 =	vadd.f32 v16, v19;
	v53 =	vperm.xlane v50, v33;
	v41 =	vld [tilespmem:s30+$0xFFFFFF80];
	v22 =	vadd.f32 v59, v22  }
0x226: {  	v49 =	vadd.f32 v23, v30;
	v43 =	vadd.f32 v28, v32;
	v39 =	vmul.f32 v0, v18;
	v18 =	vld [tilespmem:s1+$0x70];
	[tilespmem:$0x1FB70] =	vst v24  }
0x227: {  	v19 =	vmul.f32 v24, v24;
	v15 =	vadd.f32 v16, v15;
	v63 =	vadd.f32 v50, v53;
	[tilespmem:$0x1FB80] =	vst v22  }
0x228: {  	v21 =	vadd.f32 v46, v45;
	v28 =	vmul.f32 v22, v22;
	v52 =	vld [tilespmem:s1+$0xFFFFFF00];
	v2 =	vsub.f32 $1.500000000e+00, v39  }
0x229: {  	v23 =	vadd.f32 v47, v27;
	v40 =	vperm.xlane v15, v33;
	v42 =	vadd.f32 v22, v24  }
0x22a: {  	v22 =	vadd.f32 v51, v48;
	v16 =	vadd.f32 v28, v19;
	v0 =	vmul.f32 v0, v2  }
0x22b: {  	v59 =	vadd.f32 v23, v21;
	v15 =	vadd.f32 v40, v15;
	v19 =	vmul.f32 v21, v21  }
0x22c: {  	[tilespmem:$0x1FB90] =	vst v21;
	v16 =	vadd.f32 v16, v43;
	v21 =	vadd.f32 v41, v18;
	v61 =	vmul.f32 v0, v1  }
0x22d: {  	v2 =	vadd.f32 v42, v49;
	v18 =	vmul.f32 v23, v23;
	v43 =	vadd.f32 v13, v52  }
0x22e: {  	v13 =	vmul.f32 v22, v22;
	v26 =	vadd.f32 v21, v22;
	v24 =	vmul.f32 v61, v0  }
0x22f: {  	v18 =	vadd.f32 v18, v19;
	v19 =	vadd.f32 v25, v43;
	v32 =	vmul.f32 v43, v43  }
0x230: {  	v39 =	vmul.f32 v21, v21;
	v46 =	vadd.f32 v26, v59;
	v45 =	vsub.f32 $1.500000000e+00, v24  }
0x231: {  	v14 =	vadd.f32 v14, v19;
	v19 =	vadd.f32 v44, v32  }
0x232: {  	v13 =	vadd.f32 v39, v13;
	v2 =	vadd.f32 v46, v2  }
0x233: {  	v0 =	vmul.f32 v45, v0;
	v14 =	vadd.f32 v17, v14;
	v17 =	vadd.f32 v20, v19  }
0x234: {  	v41 =	vperm.xlane v63, v34;
	v13 =	vadd.f32 v13, v18;
	v18 =	vperm.xlane v2, v33  }
0x235: {  	v1 =	vmul.f32 v0, v1;
	v19 =	vperm.xlane v14, v33;
	v3 =	vadd.f32 v3, v17  }
0x236: {  	v13 =	vadd.f32 v13, v16;
	v17 =	vperm.xlane v15, v34;
	v2 =	vadd.f32 v2, v18  }
0x237: {  	v1 =	vmul.f32 v1, v0;
	v14 =	vadd.f32 v14, v19;
	v16 =	vperm.xlane v3, v33  }
0x238: {  	v18 =	vadd.f32 v63, v41;
	v19 =	vperm.xlane v13, v33;
	v20 =	vperm.xlane v2, v34  }
0x239: {  	v1 =	vsub.f32 $1.500000000e+00, v1;
	v48 =	vperm.xlane v14, v34;
	v3 =	vadd.f32 v16, v3  }
0x23a: {  	v16 =	vperm.xlane v18, v35;
	v13 =	vadd.f32 v19, v13;
	v49 =	vadd.f32 v2, v20  }
0x23b: {  	v0 =	vmul.f32 v1, v0;
	v50 =	vadd.f32 v14, v48;
	v14 =	vperm.xlane v3, v34  }
0x23c: {  	v15 =	vadd.f32 v17, v15;
	v17 =	vperm.xlane v13, v34;
	v20 =	vperm.xlane v49, v35  }
0x23d: {  	v19 =	vmul.f32 v0, v58;
	v44 =	vperm.xlane v50, v35;
	v3 =	vadd.f32 v14, v3  }
0x23e: {  	v14 =	vadd.f32 v18, v16;
	v13 =	vadd.f32 v17, v13;
	v16 =	vperm.xlane v15, v35  }
0x23f: {  	v1 =	vadd.f32 v49, v20;
	v2 =	vadd.f32 v50, v44;
	v17 =	vperm.xlane v3, v35  }
0x240: {  	v18 =	vperm.xlane v13, v35;
	v20 =	vperm.xlane v14, v36;
	v15 =	vadd.f32 v16, v15  }
0x241: {  	v16 =	vperm.xlane v2, v36;
	v3 =	vadd.f32 v17, v3;
	v17 =	vperm.xlane v1, v36  }
0x242: {  	v14 =	vadd.f32 v14, v20;
	v20 =	vperm.xlane v15, v36;
	v13 =	vadd.f32 v18, v13  }
0x243: {  	v2 =	vadd.f32 v2, v16;
	v18 =	vperm.xlane v3, v36;
	v1 =	vadd.f32 v1, v17  }
0x244: {  	v15 =	vadd.f32 v20, v15;
	v16 =	vmul.f32 $7.812500000e-03, v14;
	v14 =	vperm.xlane v13, v36  }
0x245: {  	[tilespmem:$0x1FBD0] =	vst v21;
	v21 =	vmovc v58;
	v3 =	vadd.f32 v18, v3;
	v50 =	vmul.f32 $7.812500000e-03, v2;
	v58 =	vmul.f32 $7.812500000e-03, v1  }
0x246: {  	v51 =	vmul.f32 $7.812500000e-03, v15;
	v52 =	vmul.f32 v16, v16;
	v13 =	vadd.f32 v14, v13  }
0x247: {  	v3 =	vmul.f32 $7.812500000e-03, v3;
	v14 =	vmul.f32 v50, v50  }
0x248: {  	v1 =	vsub.f32 v51, v52;
	v53 =	vmul.f32 $7.812500000e-03, v13;
	v13 =	vmul.f32 v58, v58  }
0x249: {  	v3 =	vsub.f32 v3, v14  }
0x24a: {  	v1 =	vadd.f32 $9.999999960e-13, v1;
	v2 =	vsub.f32 v53, v13  }
0x24b: {  	v11 =	vmul.f32 v19, v11  }
0x24c: {  	v3 =	vadd.f32 $9.999999960e-13, v3;
	v18 =	vshrl.u32 v1, $0x1;
	v2 =	vadd.f32 $9.999999960e-13, v2  }
0x24d: {  	v15 =	vmul.f32 v19, v12;
	v1 =	vmul.f32 $5.000000000e-01, v1;
	v18 =	vsub.s32 $0x5F3759DF, v18  }
0x24e: {  	v19 =	vshrl.u32 v3, $0x1;
	v3 =	vmul.f32 $5.000000000e-01, v3;
	v20 =	vshrl.u32 v2, $0x1  }
0x24f: {  	v2 =	vmul.f32 $5.000000000e-01, v2;
	v61 =	vmul.f32 v18, v1;
	v19 =	vsub.s32 $0x5F3759DF, v19  }
0x250: {  	v48 =	vmul.f32 v0, v55;
	v20 =	vsub.s32 $0x5F3759DF, v20;
	v59 =	vmul.f32 v19, v3  }
0x251: {  	v26 =	vmul.f32 v20, v2;
	v45 =	vmul.f32 v18, v61  }
0x252: {  	v49 =	vmul.f32 v0, v56;
	v44 =	vmul.f32 v19, v59  }
0x253: {  	v63 =	vmul.f32 v0, v54;
	v47 =	vmul.f32 v20, v26;
	v45 =	vsub.f32 $1.500000000e+00, v45  }
0x254: {  	[tilespmem:$0x1FBC0] =	vst v25;
	v25 =	vmovc v55;
	v55 =	vmul.f32 v48, v12;
	v33 =	vmul.f32 v49, v12;
	v44 =	vsub.f32 $1.500000000e+00, v44  }
0x255: {  	[tilespmem:$0x1FBA0] =	vst v23;
	v23 =	vld [tilespmem:$0x1FF80];
	v49 =	vmul.f32 v49, v4;
	v47 =	vsub.f32 $1.500000000e+00, v47;
	v18 =	vmul.f32 v18, v45  }
0x256: {  	v17 =	vmul.f32 v0, v38;
	v19 =	vmul.f32 v19, v44  }
0x257: {  	v20 =	vmul.f32 v20, v47;
	v41 =	vmul.f32 v18, v1  }
0x258: {  	v42 =	vmul.f32 v17, v12;
	v39 =	vmul.f32 v19, v3  }
0x259: {  	v40 =	vmul.f32 v20, v2;
	v47 =	vmul.f32 v41, v18  }
0x25a: {  	v14 =	vmul.f32 v0, v23;
	v45 =	vmul.f32 v39, v19  }
0x25b: {  	v13 =	vmul.f32 v0, v62;
	v53 =	vmul.f32 v40, v20;
	v47 =	vsub.f32 $1.500000000e+00, v47  }
0x25c: {  	v0 =	vmul.f32 v0, v57;
	v32 =	vmul.f32 v14, v12;
	v45 =	vsub.f32 $1.500000000e+00, v45  }
0x25d: {  	v61 =	vmul.f32 v48, v5;
	v53 =	vsub.f32 $1.500000000e+00, v53;
	v18 =	vmul.f32 v47, v18  }
0x25e: {  	v59 =	vmul.f32 v14, v10;
	v19 =	vmul.f32 v45, v19  }
0x25f: {  	v10 =	vmul.f32 v53, v20;
	v1 =	vmul.f32 v18, v1  }
0x260: {  	v44 =	vmul.f32 v13, v12;
	v3 =	vmul.f32 v19, v3  }
0x261: {  	v2 =	vmul.f32 v10, v2;
	v1 =	vmul.f32 v1, v18  }
0x262: {  	v13 =	vmul.f32 v13, v9;
	v9 =	vsub.f32 v60, v15;
	v3 =	vmul.f32 v3, v19  }
0x263: {  	v41 =	vmul.f32 v63, v12;
	v2 =	vmul.f32 v2, v10;
	v1 =	vsub.f32 $1.500000000e+00, v1  }
0x264: {  	v29 =	vld [tilespmem:$0x1FF00];
	v12 =	vmul.f32 v0, v12;
	v0 =	vmul.f32 v0, v6;
	v3 =	vsub.f32 $1.500000000e+00, v3  }
0x265: {  	v53 =	vmul.f32 v17, v8;
	v8 =	vld [tilespmem:$0x1FF50];
	v2 =	vsub.f32 $1.500000000e+00, v2;
	v1 =	vmul.f32 v1, v18  }
0x266: {  	v28 =	vld [tilespmem:$0x1FF60];
	v39 =	vmul.f32 v63, v7;
	v3 =	vmul.f32 v3, v19  }
0x267: {  	[tilespmem:$0x1FBB0] =	vst v22;
	v22 =	vld [tilespmem:$0x1FF20];
	v5 =	vadd.f32 v9, v11;
	v2 =	vmul.f32 v2, v10;
	v11 =	vmul.f32 v1, v23  }
0x268: {  	v27 =	vmovc v57;
	v24 =	vmov v54;
	v45 =	vmul.f32 v1, v62;
	v17 =	vmul.f32 v1, v38  }
0x269: {  	v26 =	vmovc v56;
	v6 =	vsub.f32 v29, v32;
	v7 =	vld [tilespmem:$0x1FF30];
	v14 =	vmul.f32 v1, v24;
	v15 =	vmul.f32 v1, v25  }
0x26a: {  	v31 =	vld [tilespmem:$0x1FF10];
	v63 =	vsub.f32 v8, v33;
	v8 =	vmul.f32 v1, v26;
	v9 =	vmul.f32 v1, v27  }
0x26b: {  	v32 =	vsub.f32 v28, v12;
	v12 =	vmul.f32 v1, v21;
	v57 =	vmul.f32 v3, v23  }
0x26c: {  	v40 =	vsub.f32 v22, v42;
	v48 =	vmul.f32 v3, v62;
	v51 =	vmul.f32 v3, v38  }
0x26d: {  	v6 =	vadd.f32 v6, v59;
	v46 =	vmul.f32 v3, v24;
	v47 =	vmul.f32 v3, v25  }
0x26e: {  	v41 =	vsub.f32 v7, v41;
	v4 =	vmul.f32 v3, v26;
	v10 =	vmul.f32 v3, v27  }
0x26f: {  	v18 =	vsub.f32 v31, v44;
	v7 =	vmul.f32 v3, v21;
	v3 =	vld [tilespmem:$0x1FF40];
	v20 =	vmul.f32 v2, v23  }
0x270: {  	s11 =	simm.s32 $0x1A500;
	v39 =	vadd.f32 v41, v39;
	v19 =	vmul.f32 v2, v62;
	v44 =	vmul.f32 v2, v38  }
0x271: {  	v33 =	vadd.f32 v18, v13;
	v18 =	vmul.f32 v2, v24;
	[tilespmem:s11+$0x80] =	vst v6;
	v6 =	vmul.f32 v2, v25  }
0x272: {  	v13 =	vadd.f32 v40, v53;
	[tilespmem:s11+$0xF0] =	vst v5;
	v5 =	vmul.f32 v2, v26;
	v54 =	vmul.f32 v2, v27  }
0x273: {  	v41 =	vadd.f32 v63, v49;
	[tilespmem:s11+$0x90] =	vst v33;
	v52 =	vmul.f32 v2, v21;
	v62 =	vmul.f32 v11, v16  }
0x274: {  	[tilespmem:s11+$0xA0] =	vst v13;
	v59 =	vmul.f32 v45, v16;
	v13 =	vmul.f32 v48, v50;
	v3 =	vsub.f32 v3, v55  }
0x275: {  	v0 =	vadd.f32 v32, v0;
	[tilespmem:s11+$0xB0] =	vst v39;
	v42 =	vmul.f32 v51, v50;
	v56 =	vmul.f32 v46, v50  }
0x276: {  	[tilespmem:s11+$0xD0] =	vst v41;
	v49 =	vmul.f32 v47, v50;
	v40 =	vadd.f32 v3, v61;
	v3 =	vmul.f32 v57, v50  }
0x277: {  	s4 =	sor.u32 $0x80, s31;
	[tilespmem:s11+$0xE0] =	vst v0;
	v63 =	vmul.f32 v4, v50;
	v60 =	vsub.f32 v31, v13;
	v13 =	vmul.f32 v10, v50  }
0x278: {  	s12 =	simm.s32 $0x0;
	s5 =	simm.s32 $0x12700;
	s1 =	simm.s32 $0x1A500;
	v50 =	vmul.f32 v7, v50;
	v61 =	vsub.f32 v22, v42;
	[tilespmem:s11+$0xC0] =	vst v40;
	v53 =	vsub.f32 v29, v3  }
.LBB2_9:
0x279: {  	v41 =	vld [tilespmem:$0x1FF30];
	_ =	sdelay $0x1  }
0x27a: {  	v40 =	vld [tilespmem:$0x1FF40]  }
0x27b: {  	v2 =	vmul.f32 v14, v16;
	_ =	sdelay $0x1  }
0x27c: {  	v39 =	vld [tilespmem:$0x1FF50];
	v43 =	vmul.f32 v57, v43;
	v57 =	vsub.f32 v41, v2  }
0x27d: {  	v31 =	vsub.f32 v31, v59;
	v59 =	vld [tilespmem:$0x1FBC0]  }
0x27e: {  	v55 =	vsub.f32 v40, v49;
	v49 =	vmul.f32 v15, v16;
	[tilespmem:$0x1F980] =	vst v57;
	v57 =	vld [tilespmem:$0x1FF60];
	_ =	sdelay $0x1  }
0x27f: {  	v33 =	vsub.f32 v40, v49  }
0x280: {  	v23 =	vsub.f32 v39, v63;
	v63 =	vmul.f32 v9, v16  }
0x281: {  	[tilespmem:$0x1F990] =	vst v33;
	v33 =	vld [tilespmem:$0x1FA80]  }
0x282: {  	v2 =	vmul.f32 v48, v59;
	v59 =	vsub.f32 v57, v63;
	v63 =	vld [tilespmem:$0x1FA90];
	_ =	sdelay $0x3  }
0x283: {  	v49 =	vmul.f32 v51, v33;
	v51 =	vld [tilespmem:$0x1FAB0]  }
0x284: {  	[tilespmem:$0x1F9C0] =	vst v59;
	v59 =	vmul.f32 v46, v63;
	v46 =	vld [tilespmem:$0x1FAA0];
	_ =	sdelay $0x1  }
0x285: {  	v29 =	vsub.f32 v29, v62  }
0x286: {  	v38 =	vld [tilespmem:$0x1FF70];
	v62 =	vmul.f32 v6, v58  }
0x287: {  	[tilespmem:$0x1F950] =	vst v29;
	v29 =	vmul.f32 v5, v58  }
0x288: {  	v57 =	vmul.f32 v47, v46;
	v46 =	vmul.f32 v4, v51;
	v4 =	vsub.f32 v40, v62  }
0x289: {  	v27 =	vmul.f32 v18, v58  }
0x28a: {  	[tilespmem:$0x1FA40] =	vst v4;
	v4 =	vsub.f32 v39, v29  }
0x28b: {  	v26 =	vsub.f32 v38, v50;
	v50 =	vsub.f32 v41, v27;
	v27 =	vld [tilespmem:$0x1FF60]  }
0x28c: {  	v13 =	vsub.f32 v28, v13;
	[tilespmem:$0x1FA50] =	vst v4;
	v4 =	vld [tilespmem:$0x1FAC0];
	_ =	sdelay $0x1  }
0x28d: {  	[tilespmem:$0x1F930] =	vst v13  }
0x28e: {  	v24 =	vmul.f32 v19, v58;
	[tilespmem:$0x1F960] =	vst v31;
	v31 =	vmul.f32 v54, v58  }
0x28f: {  	v13 =	vmul.f32 v20, v58;
	[tilespmem:$0x1F940] =	vst v26;
	v26 =	vmul.f32 v44, v58  }
0x290: {  	v0 =	vld [tilespmem:s5+$0x80];
	v58 =	vmul.f32 v52, v58;
	v10 =	vmul.f32 v10, v4;
	v4 =	vsub.f32 v27, v31  }
0x291: {  	v22 =	vld [tilespmem:s5+$0x90]  }
0x292: {  	v25 =	vld [tilespmem:s5+$0xA0];
	[tilespmem:$0x1FA60] =	vst v4;
	v4 =	vsub.f32 v38, v58  }
0x293: {  	v30 =	vld [tilespmem:s5+$0xB0]  }
0x294: {  	[tilespmem:$0x1FA70] =	vst v4;
	v4 =	vld [tilespmem:$0x1FAD0]  }
0x295: {  	s30 =	sadd.s32 $0x200, s30;
	v42 =	vld [tilespmem:$0x1FF20]  }
0x296: {  	v3 =	vld [tilespmem:s30+$0xFFFFFF90]  }
0x297: {  	v28 =	vld [tilespmem:s30+$0xFFFFFFB0]  }
0x298: {  	v1 =	vmul.f32 v17, v16;
	v33 =	vld [tilespmem:$0x1FF00]  }
0x299: {  	v21 =	vmul.f32 v8, v16;
	v7 =	vmul.f32 v7, v4;
	v4 =	vld [tilespmem:$0x1FAE0]  }
0x29a: {  	v32 =	vld [tilespmem:s30+$0xFFFFFFC0];
	v1 =	vsub.f32 v42, v1  }
0x29b: {  	v21 =	vsub.f32 v39, v21;
	[tilespmem:$0x1F920] =	vst v23;
	v23 =	vld [tilespmem:s30+$0xFFFFFFA0]  }
0x29c: {  	v16 =	vmul.f32 v12, v16;
	[tilespmem:$0x1F970] =	vst v1;
	v1 =	vld [tilespmem:s5+$0xC0]  }
0x29d: {  	[tilespmem:$0x1F9B0] =	vst v21;
	v21 =	vld [tilespmem:s30+$0xFFFFFFD0];
	v13 =	vsub.f32 v33, v13  }
0x29e: {  	v16 =	vsub.f32 v38, v16;
	v11 =	vmul.f32 v11, v4;
	v4 =	vld [tilespmem:$0x1FAF0]  }
0x29f: {  	[tilespmem:$0x1F9F0] =	vst v13;
	v13 =	vld [tilespmem:$0x1FF10]  }
0x2a0: {  	[tilespmem:$0x1F9D0] =	vst v16;
	v16 =	vld [tilespmem:s5+$0xD0]  }
0x2a1: {  	v48 =	vsub.f32 v42, v26;
	v26 =	vld [tilespmem:s30+$0xFFFFFFF0]  }
0x2a2: {  	v29 =	vadd.f32 v53, v43;
	v53 =	vld [tilespmem:$0x1FB20]  }
0x2a3: {  	v45 =	vmul.f32 v45, v4;
	v4 =	vld [tilespmem:$0x1FB00]  }
0x2a4: {  	v33 =	vld [tilespmem:$0x1FB40];
	v13 =	vsub.f32 v13, v24  }
0x2a5: {  	v24 =	vld [tilespmem:s5+$0xE0]  }
0x2a6: {  	[tilespmem:$0x1FA10] =	vst v13;
	v13 =	vld [tilespmem:s30+$0xFFFFFFE0]  }
0x2a7: {  	v51 =	vmul.f32 v8, v53;
	v8 =	vadd.f32 v32, v30;
	v32 =	vld [tilespmem:$0x1FB30]  }
0x2a8: {  	[tilespmem:$0x1FA20] =	vst v48;
	v48 =	vmul.f32 v17, v4;
	v4 =	vld [tilespmem:$0x1FB10]  }
0x2a9: {  	v27 =	vld [tilespmem:s5+$0xF0]  }
0x2aa: {  	v31 =	vld [tilespmem:s30+$0x0]  }
0x2ab: {  	v2 =	vadd.f32 v60, v2;
	v17 =	vadd.f32 v3, v0;
	v3 =	vld [tilespmem:$0x1FB50]  }
0x2ac: {  	v43 =	vld [tilespmem:s30+$0xFFFFFE10];
	[tilespmem:s11+$0xFFFFFF00] =	vst v29;
	v29 =	vadd.f32 v61, v49  }
0x2ad: {  	v62 =	vadd.f32 v13, v16;
	v47 =	vmul.f32 v14, v4;
	v4 =	vmul.f32 v15, v37;
	v37 =	vld [tilespmem:s5+$0xFFFFFF10];
	[tilespmem:s11+$0xFFFFFF10] =	vst v2  }
0x2ae: {  	[tilespmem:$0x1FA30] =	vst v50;
	v50 =	vmul.f32 v9, v32;
	v9 =	vadd.f32 v21, v1;
	v1 =	vmul.f32 v12, v33;
	v58 =	vld [tilespmem:s30+$0xFFFFFE20]  }
0x2af: {  	v12 =	vadd.f32 v26, v24;
	v30 =	vmul.f32 v62, v62;
	v16 =	vadd.f32 v31, v27;
	[tilespmem:s11+$0xFFFFFF20] =	vst v29  }
0x2b0: {  	v15 =	vadd.f32 v23, v22;
	v14 =	vadd.f32 v28, v25;
	v3 =	vmul.f32 v20, v3;
	v2 =	vld [tilespmem:s5+$0xFFFFFF20]  }
0x2b1: {  	v27 =	vadd.f32 v16, v12;
	v23 =	vadd.f32 v62, v9;
	v28 =	vmul.f32 v8, v8;
	v49 =	vld [tilespmem:s30+$0xFFFFFE30]  }
0x2b2: {  	v29 =	vmul.f32 v9, v9;
	[tilespmem:$0x1FA00] =	vst v3;
	v3 =	vld [tilespmem:s5+$0xFFFFFF30];
	v13 =	vadd.f32 v15, v17;
	v25 =	vmul.f32 v14, v14  }
0x2b3: {  	[tilespmem:$0x1F9A0] =	vst v4;
	v20 =	vadd.f32 v8, v14;
	v22 =	vld [tilespmem:s30+$0xFFFFFE40];
	v4 =	vadd.f32 v58, v37  }
0x2b4: {  	v31 =	vmul.f32 v12, v12;
	v37 =	vadd.f32 v28, v25;
	v28 =	vadd.f32 v30, v29;
	v29 =	vld [tilespmem:$0x1FB60]  }
0x2b5: {  	v21 =	vmul.f32 v17, v17;
	v53 =	vmul.f32 v15, v15;
	v60 =	vld [tilespmem:s5+$0xFFFFFF40]  }
0x2b6: {  	v61 =	vld [tilespmem:s30+$0xFFFFFE50];
	v13 =	vadd.f32 v20, v13;
	v20 =	vadd.f32 v27, v23;
	v23 =	vmul.f32 v16, v16  }
0x2b7: {  	v63 =	vld [tilespmem:s5+$0xFFFFFF50]  }
0x2b8: {  	v27 =	vld [tilespmem:s30+$0xFFFFFE60];
	v21 =	vadd.f32 v53, v21;
	v23 =	vadd.f32 v23, v31  }
0x2b9: {  	v19 =	vmul.f32 v19, v29;
	v29 =	vadd.f32 v49, v2;
	v2 =	vadd.f32 v20, v13;
	v13 =	vld [tilespmem:$0x1FB70]  }
0x2ba: {  	v20 =	vadd.f32 v37, v21;
	v21 =	vadd.f32 v23, v28;
	v23 =	vld [tilespmem:$0x1FB80]  }
0x2bb: {  	v37 =	vld [tilespmem:$0x1FFC0]  }
0x2bc: {  	v33 =	vld [tilespmem:s30+$0xFFFFFE90]  }
0x2bd: {  	[tilespmem:$0x1F9E0] =	vst v1;
	v1 =	vld [tilespmem:s30+$0xFFFFFE70]  }
0x2be: {  	v25 =	vld [tilespmem:s5+$0xFFFFFF60];
	v27 =	vadd.f32 v27, v63;
	v49 =	vadd.f32 v22, v3  }
0x2bf: {  	v53 =	vld [tilespmem:s30+$0xFFFFFE80];
	v28 =	vadd.f32 v61, v60;
	v20 =	vadd.f32 v21, v20;
	v44 =	vmul.f32 v44, v13  }
0x2c0: {  	v60 =	vadd.f32 v49, v29;
	v13 =	vld [tilespmem:s5+$0xFFFFFF70];
	v18 =	vmul.f32 v18, v23;
	v23 =	vperm.xlane v2, v37  }
0x2c1: {  	v0 =	vld [tilespmem:s5+$0xFFFFFFA0];
	[tilespmem:$0x1FA90] =	vst v49;
	v21 =	vmul.f32 v49, v49;
	v32 =	vmul.f32 v28, v28;
	v49 =	vadd.f32 v27, v28  }
0x2c2: {  	v22 =	vld [tilespmem:s5+$0xFFFFFF80];
	[tilespmem:$0x1FAB0] =	vst v27;
	v27 =	vmul.f32 v27, v27;
	v2 =	vadd.f32 v2, v23;
	v23 =	vperm.xlane v20, v37  }
0x2c3: {  	v3 =	vmul.f32 v29, v29;
	[tilespmem:$0x1FA80] =	vst v29;
	v29 =	vadd.f32 v1, v25;
	v1 =	vld [tilespmem:s5+$0xFFFFFF90]  }
0x2c4: {  	v20 =	vadd.f32 v23, v20;
	v23 =	vadd.f32 v27, v32;
	v27 =	vld [tilespmem:$0x1FB90]  }
0x2c5: {  	[tilespmem:$0x1FAA0] =	vst v28;
	v61 =	vadd.f32 v21, v3;
	v3 =	vld [tilespmem:s30+$0xFFFFFEA0];
	v28 =	vadd.f32 v53, v13  }
0x2c6: {  	v13 =	vperm.xlane v2, v34;
	v53 =	vld [tilespmem:s30+$0xFFFFFEB0]  }
0x2c7: {  	v21 =	vmul.f32 v29, v29;
	[tilespmem:$0x1FAC0] =	vst v29;
	v30 =	vadd.f32 v33, v22;
	v33 =	vadd.f32 v28, v29;
	v29 =	vld [tilespmem:$0x1FBA0]  }
0x2c8: {  	v2 =	vadd.f32 v2, v13;
	v13 =	vperm.xlane v20, v34  }
0x2c9: {  	v22 =	vld [tilespmem:s5+$0xFFFFFFB0];
	v6 =	vmul.f32 v6, v27;
	v27 =	vmul.f32 v28, v28  }
0x2ca: {  	[tilespmem:$0x1FAD0] =	vst v28;
	v28 =	vld [tilespmem:s30+$0xFFFFFEC0];
	v13 =	vadd.f32 v13, v20  }
0x2cb: {  	v31 =	vadd.f32 v53, v0;
	v0 =	vld [tilespmem:s5+$0xFFFFFFD0];
	v20 =	vadd.f32 v27, v21  }
0x2cc: {  	v21 =	vld [tilespmem:s30+$0xFFFFFED0];
	v5 =	vmul.f32 v5, v29;
	v29 =	vadd.f32 v3, v1;
	v3 =	vperm.xlane v2, v35  }
0x2cd: {  	v63 =	vadd.f32 v33, v49;
	v1 =	vld [tilespmem:s5+$0xFFFFFFC0]  }
0x2ce: {  	v49 =	vmul.f32 v30, v30;
	v53 =	vadd.f32 v20, v23;
	v20 =	vld [tilespmem:s30+$0xFFFFFEE0];
	v2 =	vadd.f32 v2, v3  }
0x2cf: {  	v3 =	vperm.xlane v13, v35;
	v23 =	vadd.f32 v29, v30;
	[tilespmem:$0x1FAF0] =	vst v29;
	v33 =	vmul.f32 v29, v29;
	v29 =	vld [tilespmem:$0x1FBD0]  }
0x2d0: {  	v28 =	vadd.f32 v28, v22;
	v22 =	vld [tilespmem:s5+$0xFFFFFFE0]  }
0x2d1: {  	v26 =	vperm.xlane v2, v36;
	v3 =	vadd.f32 v3, v13;
	v24 =	vadd.f32 v33, v49;
	v49 =	vld [tilespmem:$0x1FBB0]  }
0x2d2: {  	v56 =	vsub.f32 v41, v56;
	v27 =	vmul.f32 v31, v31;
	v13 =	vld [tilespmem:s30+$0xFFFFFEF0];
	v32 =	vadd.f32 v28, v31  }
0x2d3: {  	v25 =	vld [tilespmem:s30+$0xFFFFFF00];
	v33 =	vadd.f32 v21, v1;
	v2 =	vadd.f32 v2, v26;
	v21 =	vperm.xlane v3, v36  }
0x2d4: {  	[tilespmem:$0x1FB10] =	vst v28;
	v28 =	vmul.f32 v28, v28;
	v1 =	vld [tilespmem:s5+$0xFFFFFFF0];
	v52 =	vmul.f32 v52, v29;
	v29 =	vadd.f32 v20, v0  }
0x2d5: {  	v0 =	vld [tilespmem:s5+$0x0];
	v3 =	vadd.f32 v21, v3;
	v20 =	vmul.f32 $7.812500000e-03, v2;
	v2 =	vadd.f32 v32, v23  }
0x2d6: {  	v21 =	vmul.f32 v33, v33;
	v23 =	vadd.f32 v28, v27;
	v54 =	vmul.f32 v54, v49;
	v49 =	vld [tilespmem:s30+$0xFFFFFF10]  }
0x2d7: {  	[tilespmem:$0x1FAE0] =	vst v30;
	v30 =	vadd.f32 v13, v22;
	v13 =	vld [tilespmem:s5+$0x10];
	v27 =	vadd.f32 v29, v33;
	v28 =	vmul.f32 v29, v29  }
0x2d8: {  	v3 =	vmul.f32 $7.812500000e-03, v3;
	v22 =	vmul.f32 v20, v20;
	v23 =	vadd.f32 v23, v24;
	v24 =	vld [tilespmem:s30+$0xFFFFFF20]  }
0x2d9: {  	[tilespmem:$0x1FB00] =	vst v31;
	v31 =	vadd.f32 v25, v1;
	v25 =	vld [tilespmem:s5+$0x20];
	v21 =	vadd.f32 v28, v21  }
0x2da: {  	v28 =	vadd.f32 v56, v59;
	v59 =	vld [tilespmem:s5+$0x30];
	v3 =	vsub.f32 v3, v22  }
0x2db: {  	[tilespmem:$0x1FB20] =	vst v29;
	v1 =	vmul.f32 v30, v30;
	v22 =	vld [tilespmem:s30+$0xFFFFFF30];
	v29 =	vmul.f32 v31, v31;
	v56 =	vadd.f32 v49, v0  }
0x2dc: {  	[tilespmem:$0x1FB30] =	vst v30;
	v3 =	vadd.f32 $9.999999960e-13, v3;
	v49 =	vadd.f32 v31, v30;
	v30 =	vld [tilespmem:s30+$0xFFFFFF40]  }
0x2dd: {  	v58 =	vmul.f32 v4, v4;
	[tilespmem:s11+$0xFFFFFF30] =	vst v28;
	v28 =	vadd.f32 v55, v57;
	v1 =	vadd.f32 v29, v1;
	v0 =	vld [tilespmem:s5+$0x60]  }
0x2de: {  	v55 =	vadd.f32 v24, v13;
	v13 =	vld [tilespmem:s5+$0x40];
	v57 =	vshrl.u32 v3, $0x1;
	v3 =	vmul.f32 $5.000000000e-01, v3  }
0x2df: {  	[tilespmem:$0x1FB40] =	vst v31;
	v26 =	vadd.f32 v49, v27;
	v27 =	vld [tilespmem:s30+$0xFFFFFF50];
	v31 =	vmul.f32 v56, v56;
	v24 =	vsub.s32 $0x5F3759DF, v57  }
0x2e0: {  	[tilespmem:s11+$0xFFFFFF40] =	vst v28;
	v1 =	vadd.f32 v1, v21;
	v49 =	vadd.f32 v22, v25;
	v22 =	vld [tilespmem:s5+$0x50];
	v28 =	vmul.f32 v24, v3  }
0x2e1: {  	v25 =	vadd.f32 v55, v56;
	v29 =	vmul.f32 v55, v55;
	v2 =	vadd.f32 v26, v2;
	v26 =	vld [tilespmem:s30+$0xFFFFFF60]  }
0x2e2: {  	[tilespmem:$0x1FB50] =	vst v56;
	v21 =	vld [tilespmem:s30+$0xFFFFFF70];
	v1 =	vadd.f32 v1, v23;
	v56 =	vadd.f32 v30, v59;
	v28 =	vmul.f32 v24, v28  }
0x2e3: {  	v23 =	vld [tilespmem:s30+$0xFFFFFF80];
	v30 =	vmul.f32 v49, v49;
	v29 =	vadd.f32 v29, v31;
	v32 =	vperm.xlane v2, v37  }
0x2e4: {  	[tilespmem:$0x1FB60] =	vst v55;
	v59 =	vperm.xlane v1, v37;
	v55 =	vadd.f32 v27, v13;
	v13 =	vld [tilespmem:s5+$0x70];
	v28 =	vsub.f32 $1.500000000e+00, v28  }
0x2e5: {  	[tilespmem:$0x1FB70] =	vst v49;
	v27 =	vmul.f32 v56, v56;
	v31 =	vadd.f32 v56, v49;
	v49 =	vld [tilespmem:s5+$0xFFFFFF00];
	v2 =	vadd.f32 v2, v32  }
0x2e6: {  	[tilespmem:$0x1FB80] =	vst v56;
	v1 =	vadd.f32 v59, v1;
	v56 =	vadd.f32 v26, v22;
	v24 =	vmul.f32 v24, v28  }
0x2e7: {  	v22 =	vmul.f32 v55, v55;
	v25 =	vadd.f32 v31, v25;
	v27 =	vadd.f32 v27, v30  }
0x2e8: {  	v30 =	vadd.f32 v21, v0;
	v57 =	vadd.f32 v56, v55;
	v21 =	vmul.f32 v24, v3  }
0x2e9: {  	v28 =	vmul.f32 v56, v56;
	v27 =	vadd.f32 v27, v29;
	v29 =	vadd.f32 v23, v13  }
0x2ea: {  	v13 =	vmul.f32 v30, v30;
	v43 =	vadd.f32 v43, v49;
	v21 =	vmul.f32 v21, v24  }
0x2eb: {  	v22 =	vadd.f32 v28, v22;
	v28 =	vadd.f32 v29, v30;
	[tilespmem:$0x1FBD0] =	vst v29;
	v29 =	vmul.f32 v29, v29  }
0x2ec: {  	[tilespmem:$0x1FBB0] =	vst v30;
	v30 =	vadd.f32 v4, v43;
	v31 =	vmul.f32 v43, v43;
	v21 =	vsub.f32 $1.500000000e+00, v21  }
0x2ed: {  	v0 =	vadd.f32 v28, v57;
	v13 =	vadd.f32 v29, v13  }
0x2ee: {  	v59 =	vadd.f32 v60, v30;
	v60 =	vadd.f32 v58, v31;
	v21 =	vmul.f32 v21, v24  }
0x2ef: {  	v0 =	vadd.f32 v0, v25;
	v13 =	vadd.f32 v13, v22  }
0x2f0: {  	v22 =	vadd.f32 v63, v59;
	v61 =	vadd.f32 v61, v60;
	v3 =	vmul.f32 v21, v3  }
0x2f1: {  	v23 =	vperm.xlane v2, v34;
	v25 =	vperm.xlane v0, v37;
	v13 =	vadd.f32 v13, v27  }
0x2f2: {  	v63 =	vperm.xlane v22, v37;
	v24 =	vadd.f32 v53, v61;
	v3 =	vmul.f32 v3, v21  }
0x2f3: {  	v2 =	vadd.f32 v2, v23;
	v0 =	vadd.f32 v0, v25;
	v23 =	vperm.xlane v13, v37  }
0x2f4: {  	v53 =	vld [tilespmem:$0x1FEF0];
	v22 =	vadd.f32 v22, v63;
	v32 =	vperm.xlane v24, v37;
	v3 =	vsub.f32 $1.500000000e+00, v3  }
0x2f5: {  	v28 =	vperm.xlane v1, v34;
	v27 =	vperm.xlane v0, v34;
	v13 =	vadd.f32 v23, v13  }
0x2f6: {  	v23 =	vadd.f32 v32, v24;
	v3 =	vmul.f32 v3, v21;
	v21 =	vperm.xlane v22, v34  }
0x2f7: {  	v1 =	vadd.f32 v28, v1;
	v37 =	vperm.xlane v2, v35  }
0x2f8: {  	v0 =	vadd.f32 v0, v27;
	v21 =	vadd.f32 v22, v21;
	v22 =	vperm.xlane v23, v34  }
0x2f9: {  	[tilespmem:$0x1FBA0] =	vst v56;
	v2 =	vadd.f32 v2, v37;
	v49 =	vperm.xlane v13, v34;
	v56 =	vmul.f32 v3, v53  }
0x2fa: {  	v57 =	vperm.xlane v0, v35;
	v27 =	vperm.xlane v21, v35;
	v22 =	vadd.f32 v22, v23  }
0x2fb: {  	v13 =	vadd.f32 v49, v13;
	v58 =	vmul.f32 v56, v20;
	v23 =	vperm.xlane v1, v35  }
0x2fc: {  	v0 =	vadd.f32 v0, v57;
	v21 =	vadd.f32 v21, v27;
	v59 =	vperm.xlane v22, v35  }
0x2fd: {  	v16 =	vmul.f32 v56, v16;
	v60 =	vperm.xlane v13, v35;
	v24 =	vsub.f32 v38, v58  }
0x2fe: {  	v1 =	vadd.f32 v23, v1;
	v23 =	vperm.xlane v21, v36;
	v22 =	vadd.f32 v59, v22  }
0x2ff: {  	v27 =	vperm.xlane v2, v36;
	v61 =	vperm.xlane v0, v36;
	v13 =	vadd.f32 v60, v13  }
0x300: {  	[tilespmem:$0x1FBC0] =	vst v4;
	v4 =	vld [tilespmem:$0x1F920];
	v16 =	vadd.f32 v24, v16;
	v21 =	vadd.f32 v21, v23;
	v23 =	vperm.xlane v22, v36  }
0x301: {  	v2 =	vadd.f32 v2, v27;
	v63 =	vperm.xlane v1, v36;
	v0 =	vadd.f32 v0, v61  }
0x302: {  	s11 =	sadd.s32 $0x200, s11;
	[tilespmem:$0x1FB90] =	vst v55;
	v31 =	vld [tilespmem:$0x1F930];
	v32 =	vperm.xlane v13, v36;
	v22 =	vadd.f32 v23, v22;
	v55 =	vmul.f32 $7.812500000e-03, v21  }
0x303: {  	[tilespmem:s11+$0xF0] =	vst v16;
	v1 =	vadd.f32 v63, v1;
	v16 =	vmul.f32 $7.812500000e-03, v2;
	v58 =	vmul.f32 $7.812500000e-03, v0  }
0x304: {  	v2 =	vadd.f32 v32, v13;
	v13 =	vmul.f32 $7.812500000e-03, v22;
	v21 =	vmul.f32 v55, v55  }
0x305: {  	v4 =	vadd.f32 v4, v46;
	v37 =	vmul.f32 $7.812500000e-03, v1;
	v38 =	vmul.f32 v16, v16  }
0x306: {  	v49 =	vmul.f32 $7.812500000e-03, v2;
	v56 =	vmul.f32 v58, v58;
	v13 =	vsub.f32 v13, v21  }
0x307: {  	v10 =	vadd.f32 v31, v10;
	v31 =	vld [tilespmem:$0x1F940];
	v0 =	vsub.f32 v37, v38  }
0x308: {  	[tilespmem:s1+$0xFFFFFF50] =	vst v4;
	v1 =	vsub.f32 v49, v56;
	v4 =	vadd.f32 $9.999999960e-13, v13  }
0x309: {  	v63 =	vld [tilespmem:$0x1FFA0];
	v0 =	vadd.f32 $9.999999960e-13, v0  }
0x30a: {  	[tilespmem:s1+$0xFFFFFF60] =	vst v10;
	v10 =	vld [tilespmem:$0x1F950];
	v1 =	vadd.f32 $9.999999960e-13, v1;
	v60 =	vshrl.u32 v4, $0x1;
	v4 =	vmul.f32 $5.000000000e-01, v4  }
0x30b: {  	v59 =	vld [tilespmem:$0x1FED0];
	v57 =	vshrl.u32 v0, $0x1;
	v0 =	vmul.f32 $5.000000000e-01, v0;
	v25 =	vsub.s32 $0x5F3759DF, v60  }
0x30c: {  	v7 =	vadd.f32 v31, v7;
	v38 =	vld [tilespmem:$0x1FF80];
	v24 =	vsub.s32 $0x5F3759DF, v57;
	v27 =	vmul.f32 v25, v4  }
0x30d: {  	v37 =	vld [tilespmem:$0x1FF90];
	v61 =	vshrl.u32 v1, $0x1;
	v1 =	vmul.f32 $5.000000000e-01, v1;
	v28 =	vmul.f32 v24, v0  }
0x30e: {  	v2 =	vmul.f32 v3, v63;
	v26 =	vsub.s32 $0x5F3759DF, v61;
	v27 =	vmul.f32 v25, v27  }
0x30f: {  	v46 =	vld [tilespmem:$0x1FF10];
	v10 =	vadd.f32 v10, v11;
	v29 =	vmul.f32 v26, v1;
	v28 =	vmul.f32 v24, v28  }
0x310: {  	v32 =	vld [tilespmem:$0x1FF00];
	v23 =	vmul.f32 v3, v59;
	v31 =	vmul.f32 v2, v20;
	v11 =	vsub.f32 $1.500000000e+00, v27  }
0x311: {  	v56 =	vld [tilespmem:$0x1FEC0];
	v21 =	vmul.f32 v3, v38;
	v29 =	vmul.f32 v26, v29;
	v27 =	vsub.f32 $1.500000000e+00, v28  }
0x312: {  	[tilespmem:s1+$0xFFFFFF80] =	vst v10;
	v22 =	vmul.f32 v3, v37;
	v10 =	vmul.f32 v25, v11  }
0x313: {  	[tilespmem:s1+$0xFFFFFF70] =	vst v7;
	v7 =	vsub.f32 $1.500000000e+00, v29;
	v28 =	vmul.f32 v21, v20;
	v11 =	vmul.f32 v24, v27  }
0x314: {  	v29 =	vmul.f32 v22, v20;
	v27 =	vmul.f32 v10, v4  }
0x315: {  	v7 =	vmul.f32 v26, v7;
	v24 =	vsub.f32 v32, v28;
	v28 =	vmul.f32 v11, v0  }
0x316: {  	v13 =	vmul.f32 v3, v56;
	v60 =	vld [tilespmem:$0x1FEE0];
	v25 =	vsub.f32 v46, v29;
	v27 =	vmul.f32 v27, v10  }
0x317: {  	v61 =	vld [tilespmem:$0x1FFB0];
	v29 =	vsub.f32 v42, v31;
	v31 =	vmul.f32 v7, v1;
	v28 =	vmul.f32 v28, v11  }
0x318: {  	v57 =	vmul.f32 v23, v20;
	v27 =	vsub.f32 $1.500000000e+00, v27  }
0x319: {  	v49 =	vmul.f32 v13, v20;
	v31 =	vmul.f32 v31, v7;
	v28 =	vsub.f32 $1.500000000e+00, v28  }
0x31a: {  	v13 =	vmul.f32 v13, v8;
	v8 =	vld [tilespmem:$0x1F9C0];
	v10 =	vmul.f32 v27, v10  }
0x31b: {  	v30 =	vmul.f32 v3, v60;
	v31 =	vsub.f32 $1.500000000e+00, v31;
	v11 =	vmul.f32 v28, v11;
	v28 =	vld [tilespmem:$0x1FF60]  }
0x31c: {  	v3 =	vmul.f32 v3, v61;
	v4 =	vmul.f32 v10, v4  }
0x31d: {  	v32 =	vsub.f32 v40, v57;
	v57 =	vmul.f32 v30, v20;
	v7 =	vmul.f32 v31, v7  }
0x31e: {  	v20 =	vmul.f32 v3, v20;
	v4 =	vmul.f32 v4, v10  }
0x31f: {  	v8 =	vadd.f32 v8, v50;
	v1 =	vmul.f32 v7, v1  }
0x320: {  	v27 =	vsub.f32 v28, v20;
	v20 =	vmul.f32 v22, v15;
	v15 =	vld [tilespmem:$0x1F970];
	v4 =	vsub.f32 $1.500000000e+00, v4  }
0x321: {  	v22 =	vmul.f32 v23, v9;
	v9 =	vld [tilespmem:$0x1F9E0]  }
0x322: {  	[tilespmem:s1+$0xFFFFFFE0] =	vst v8;
	v1 =	vmul.f32 v1, v7;
	v8 =	vmul.f32 v4, v10;
	v4 =	vld [tilespmem:$0x1F9D0];
	_ =	sdelay $0x1  }
0x323: {  	v2 =	vmul.f32 v2, v14;
	v14 =	vld [tilespmem:$0x1F990];
	v1 =	vsub.f32 $1.500000000e+00, v1  }
0x324: {  	v26 =	vsub.f32 v41, v49;
	v49 =	vld [tilespmem:$0x1F960];
	v15 =	vadd.f32 v15, v48  }
0x325: {  	v1 =	vmul.f32 v1, v7;
	v7 =	vld [tilespmem:$0x1F9F0]  }
0x326: {  	[tilespmem:s1+$0xFFFFFFA0] =	vst v15;
	v15 =	vld [tilespmem:$0x1F9A0];
	v4 =	vadd.f32 v4, v9  }
0x327: {  	v0 =	vmul.f32 v11, v0;
	v9 =	vld [tilespmem:$0x1FA00]  }
0x328: {  	v21 =	vmul.f32 v21, v17;
	[tilespmem:s1+$0xFFFFFFF0] =	vst v4;
	v4 =	vld [tilespmem:$0x1FA20]  }
0x329: {  	v13 =	vadd.f32 v26, v13;
	v0 =	vmul.f32 v0, v11  }
0x32a: {  	v17 =	vld [tilespmem:$0x1F980];
	v21 =	vadd.f32 v24, v21;
	v2 =	vadd.f32 v29, v2  }
0x32b: {  	v45 =	vadd.f32 v49, v45;
	v0 =	vsub.f32 $1.500000000e+00, v0  }
0x32c: {  	v3 =	vmul.f32 v3, v12;
	[tilespmem:s11+$0xB0] =	vst v13;
	v14 =	vadd.f32 v14, v15;
	v15 =	vld [tilespmem:$0x1F9B0];
	v7 =	vadd.f32 v7, v9  }
0x32d: {  	v49 =	vsub.f32 v39, v57;
	[tilespmem:s11+$0x80] =	vst v21;
	v0 =	vmul.f32 v0, v11;
	v11 =	vadd.f32 v4, v44;
	v4 =	vld [tilespmem:$0x1FA30]  }
0x32e: {  	v23 =	vmul.f32 v30, v62;
	v25 =	vadd.f32 v25, v20;
	v20 =	vmul.f32 v1, v38;
	[tilespmem:s1+$0x0] =	vst v7;
	v7 =	vld [tilespmem:$0x1FA40]  }
0x32f: {  	v17 =	vadd.f32 v17, v47;
	[tilespmem:s11+$0xA0] =	vst v2;
	v57 =	vmul.f32 v8, v38;
	v48 =	vmul.f32 v8, v37  }
0x330: {  	[tilespmem:s1+$0xFFFFFF90] =	vst v45;
	v40 =	vadd.f32 v32, v22;
	v46 =	vmul.f32 v8, v56;
	v47 =	vmul.f32 v8, v59  }
0x331: {  	[tilespmem:s1+$0xFFFFFFB0] =	vst v17;
	v41 =	vadd.f32 v49, v23;
	v10 =	vmul.f32 v8, v61;
	v45 =	vmul.f32 v0, v37  }
0x332: {  	[tilespmem:s11+$0x90] =	vst v25;
	v9 =	vld [tilespmem:$0x1FA10];
	v15 =	vadd.f32 v15, v51;
	v51 =	vmul.f32 v8, v63;
	v12 =	vadd.f32 v4, v18  }
0x333: {  	[tilespmem:s11+$0xC0] =	vst v40;
	v4 =	vmul.f32 v8, v60;
	v6 =	vadd.f32 v7, v6;
	v7 =	vmul.f32 v8, v53;
	v8 =	vld [tilespmem:$0x1FA50]  }
0x334: {  	[tilespmem:s11+$0xD0] =	vst v41;
	v17 =	vmul.f32 v0, v63;
	v21 =	vmul.f32 v48, v55  }
0x335: {  	v49 =	vmul.f32 v47, v55;
	v13 =	vmul.f32 v10, v55;
	[tilespmem:s1+$0xFFFFFFC0] =	vst v14  }
0x336: {  	v14 =	vmul.f32 v0, v56;
	v44 =	vmul.f32 v1, v63;
	[tilespmem:s1+$0x40] =	vst v6;
	v6 =	vld [tilespmem:$0x1FA70]  }
0x337: {  	v29 =	vld [tilespmem:$0x1FF00];
	[tilespmem:s1+$0x20] =	vst v11;
	v11 =	vmul.f32 v0, v38;
	v63 =	vmul.f32 v57, v55;
	v9 =	vadd.f32 v9, v19  }
0x338: {  	v19 =	vmul.f32 v1, v37;
	[tilespmem:s1+$0xFFFFFFD0] =	vst v15;
	v15 =	vmul.f32 v0, v59;
	v5 =	vadd.f32 v8, v5;
	v8 =	vld [tilespmem:$0x1FA60]  }
0x339: {  	s12 =	sadd.s32 $0x4, s12;
	v31 =	vld [tilespmem:$0x1FF10];
	v22 =	vmul.f32 v51, v55;
	v62 =	vmul.f32 v11, v16;
	[tilespmem:s1+$0x10] =	vst v9  }
0x33a: {  	p0 =	slt.u32 s12, $0x7C;
	v3 =	vadd.f32 v27, v3;
	v9 =	vmul.f32 v0, v61;
	[tilespmem:s1+$0x30] =	vst v12;
	v12 =	vmul.f32 v0, v53  }
.Ltmp6:
0x33b: {  	v50 =	vmul.f32 v7, v55;
	v6 =	vadd.f32 v6, v52;
	[tilespmem:s1+$0x50] =	vst v5;
	v5 =	vmul.f32 v1, v60;
	(pc) =	sbr.rel @p0 .LBB2_9-.Ltmp6, $4  }
0x33c: {  	[tilespmem:s11+$0xE0] =	vst v3;
	v52 =	vmul.f32 v1, v53;
	v53 =	vsub.f32 v29, v63;
	v63 =	vmul.f32 v4, v55  }
0x33d: {  	[tilespmem:s1+$0x70] =	vst v6;
	v6 =	vmul.f32 v1, v59;
	v59 =	vmul.f32 v45, v16;
	v18 =	vadd.f32 v8, v54  }
0x33e: {  	v37 =	vmovc v33;
	v8 =	vmul.f32 v0, v60;
	v54 =	vmul.f32 v1, v61;
	v60 =	vsub.f32 v31, v21  }
0x33f: {  	s5 =	sadd.s32 $0x200, s5;
	v61 =	vsub.f32 v42, v22;
	[tilespmem:s1+$0x60] =	vst v18;
	s1 =	smov.u32 s11;
	v18 =	vmul.f32 v1, v56;
	v56 =	vmul.f32 v46, v55  }
0x340: {  	v1 =	vld [tilespmem:$0x1FBC0]  }
0x341: {  	v2 =	vld [tilespmem:$0x1FA80]  }
0x342: {  	v3 =	vld [tilespmem:$0x1FA90]  }
0x343: {  	v21 =	vld [tilespmem:$0x1FAA0]  }
0x344: {  	v22 =	vld [tilespmem:$0x1FAB0]  }
0x345: {  	v30 =	vld [tilespmem:$0x1FF30]  }
0x346: {  	v23 =	vld [tilespmem:$0x1FAC0]  }
0x347: {  	v27 =	vld [tilespmem:$0x1FF40]  }
0x348: {  	v0 =	vmul.f32 v57, v43;
	v24 =	vld [tilespmem:$0x1FAD0]  }
0x349: {  	v26 =	vld [tilespmem:$0x1FF50];
	v1 =	vmul.f32 v48, v1  }
0x34a: {  	v25 =	vld [tilespmem:$0x1FF70];
	v0 =	vadd.f32 v53, v0;
	v2 =	vmul.f32 v51, v2  }
0x34b: {  	v3 =	vmul.f32 v46, v3;
	v46 =	vld [tilespmem:$0x1FAE0];
	v1 =	vadd.f32 v60, v1  }
0x34c: {  	v13 =	vsub.f32 v28, v13;
	v21 =	vmul.f32 v47, v21;
	v47 =	vld [tilespmem:$0x1FAF0];
	[tilespmem:s11+$0xFFFFFF00] =	vst v0;
	v2 =	vadd.f32 v61, v2  }
0x34d: {  	v57 =	vsub.f32 v31, v59;
	v41 =	vsub.f32 v30, v56;
	v53 =	vld [tilespmem:$0x1FB00];
	[tilespmem:s11+$0xFFFFFF10] =	vst v1  }
0x34e: {  	v4 =	vmul.f32 v4, v22;
	v10 =	vmul.f32 v10, v23;
	v42 =	vsub.f32 v27, v49;
	[tilespmem:s11+$0xFFFFFF20] =	vst v2  }
0x34f: {  	v7 =	vmul.f32 v7, v24;
	v43 =	vsub.f32 v26, v63;
	v3 =	vadd.f32 v41, v3;
	v60 =	vld [tilespmem:$0x1FF20]  }
0x350: {  	v48 =	vsub.f32 v25, v50;
	v50 =	vmul.f32 v17, v16;
	v21 =	vadd.f32 v42, v21;
	v61 =	vld [tilespmem:$0x1FB10]  }
0x351: {  	v51 =	vsub.f32 v29, v62;
	v63 =	vmul.f32 v14, v16;
	v4 =	vadd.f32 v43, v4;
	[tilespmem:s11+$0xFFFFFF30] =	vst v3  }
0x352: {  	v24 =	vmul.f32 v15, v16;
	v49 =	vadd.f32 v13, v10;
	v11 =	vmul.f32 v11, v46;
	[tilespmem:s11+$0xFFFFFF40] =	vst v21  }
0x353: {  	v56 =	vadd.f32 v48, v7;
	v7 =	vsub.f32 v30, v63;
	v23 =	vmul.f32 v45, v47;
	v32 =	vld [tilespmem:$0x1FB20];
	[tilespmem:s1+$0xFFFFFF50] =	vst v4  }
0x354: {  	v55 =	vmul.f32 v17, v53;
	v59 =	vadd.f32 v51, v11;
	v34 =	vld [tilespmem:$0x1FB30];
	[tilespmem:s1+$0xFFFFFF60] =	vst v49;
	v10 =	vsub.f32 v60, v50  }
0x355: {  	v62 =	vadd.f32 v57, v23;
	v23 =	vmul.f32 v15, v37;
	v37 =	vld [tilespmem:$0x1FB40];
	[tilespmem:s1+$0xFFFFFF70] =	vst v56;
	v11 =	vmul.f32 v14, v61  }
0x356: {  	[tilespmem:s1+$0xFFFFFF80] =	vst v59;
	v14 =	vsub.f32 v27, v24;
	v10 =	vadd.f32 v10, v55  }
0x357: {  	[tilespmem:s1+$0xFFFFFF90] =	vst v62;
	v39 =	vadd.f32 v7, v11  }
0x358: {  	v45 =	vld [tilespmem:$0x1FB50];
	v40 =	vadd.f32 v14, v23;
	[tilespmem:s1+$0xFFFFFFA0] =	vst v10  }
0x359: {  	v33 =	vmul.f32 v8, v16;
	v35 =	vmul.f32 v9, v16;
	v46 =	vld [tilespmem:$0x1FB60];
	[tilespmem:s1+$0xFFFFFFB0] =	vst v39  }
0x35a: {  	v36 =	vmul.f32 v12, v16;
	v41 =	vmul.f32 v20, v58;
	[tilespmem:s1+$0xFFFFFFC0] =	vst v40  }
0x35b: {  	v43 =	vmul.f32 v19, v58;
	v4 =	vsub.f32 v26, v33;
	v15 =	vmul.f32 v8, v32;
	v49 =	vld [tilespmem:$0x1FB70]  }
0x35c: {  	v0 =	vsub.f32 v28, v35;
	v50 =	vmul.f32 v44, v58;
	v8 =	vmul.f32 v9, v34  }
0x35d: {  	v9 =	vsub.f32 v25, v36;
	v38 =	vmul.f32 v12, v37;
	v42 =	vadd.f32 v4, v15  }
0x35e: {  	v7 =	vsub.f32 v29, v41;
	v0 =	vadd.f32 v0, v8;
	v11 =	vmul.f32 v20, v45  }
0x35f: {  	v4 =	vsub.f32 v31, v43;
	v47 =	vadd.f32 v9, v38;
	[tilespmem:s1+$0xFFFFFFD0] =	vst v42;
	v8 =	vmul.f32 v19, v46  }
0x360: {  	v9 =	vsub.f32 v60, v50;
	v48 =	vadd.f32 v7, v11;
	v53 =	vld [tilespmem:$0x1FB80];
	[tilespmem:s1+$0xFFFFFFE0] =	vst v0;
	v7 =	vmul.f32 v44, v49  }
0x361: {  	v0 =	vld [tilespmem:$0x1FB90];
	[tilespmem:s1+$0xFFFFFFF0] =	vst v47;
	v51 =	vadd.f32 v4, v8  }
0x362: {  	v1 =	vld [tilespmem:$0x1FBA0];
	[tilespmem:s1+$0x0] =	vst v48;
	v7 =	vadd.f32 v9, v7  }
0x363: {  	[tilespmem:s1+$0x10] =	vst v51  }
0x364: {  	v55 =	vmul.f32 v18, v58;
	v61 =	vld [tilespmem:$0x1FBB0];
	[tilespmem:s1+$0x20] =	vst v7  }
0x365: {  	v57 =	vmul.f32 v5, v58;
	v56 =	vmul.f32 v6, v58;
	v62 =	vld [tilespmem:$0x1FBD0]  }
0x366: {  	v59 =	vmul.f32 v54, v58;
	v4 =	vmul.f32 v18, v53;
	v8 =	vsub.f32 v30, v55  }
0x367: {  	v60 =	vmul.f32 v52, v58;
	v0 =	vmul.f32 v6, v0;
	v6 =	vsub.f32 v27, v56  }
0x368: {  	v1 =	vmul.f32 v5, v1;
	v4 =	vadd.f32 v8, v4;
	v5 =	vsub.f32 v26, v57  }
0x369: {  	v2 =	vsub.f32 v28, v59;
	v0 =	vadd.f32 v6, v0;
	v8 =	vmul.f32 v54, v61  }
0x36a: {  	p0 =	seq.s32 s28, $0x18;
	v3 =	vsub.f32 v25, v60;
	v1 =	vadd.f32 v5, v1;
	[tilespmem:s1+$0x30] =	vst v4;
	v6 =	vmul.f32 v52, v62  }
.Ltmp7:
0x36b: {  	[tilespmem:s1+$0x40] =	vst v0;
	v2 =	vadd.f32 v2, v8;
	(pc) =	sbr.rel @p0 .LBB2_12-.Ltmp7, $4  }
0x36c: {  	s4 =	sadd.s32 s7, s4;
	[tilespmem:s1+$0x50] =	vst v1;
	v63 =	vadd.f32 v3, v6  }
0x36d: {  	s4 =	sshll.u32 s4, $0x4;
	[tilespmem:s1+$0x60] =	vst v2  }
0x36e: {  	s31 =	sadd.s32 s2, s4;
	[tilespmem:s1+$0x70] =	vst v63  }
0x36f: {  	[hbm4b:s31+s3] =	stream.linear.scatter [tilespmem:s19], [sflag:$0x4], $0x4000, $0x38;
	[tilespmem:$0x1E500] =	vst v63  }
0x370: {  	v0 =	vld [tilespmem:$0x1FFC0]  }
0x371: {  	v1 =	vld [tilespmem:$0x1FFD0]  }
0x372: {  	v2 =	vld [tilespmem:$0x1FFE0]  }
.Ltmp8:
0x373: {  	v3 =	vld [tilespmem:$0x1FFF0];
	(pc) =	sbr.rel .LBB2_2-.Ltmp8, $4  }
0x374: {  	s1 =	sshrl.u32 s29, $0x2;
	v58 =	vld [tilespmem:$0x1FF80]  }
0x375: {  	s28 =	sadd.s32 $0x1, s28;
	s23 =	sadd.s32 $0x8000, s23;
	s26 =	sadd.s32 $0x100, s26;
	v62 =	vld [tilespmem:$0x1FF90]  }
0x376: {  	s24 =	sadd.s32 $0x8000, s24;
	s25 =	sadd.s32 $0x100, s25;
	v63 =	vld [tilespmem:$0x1FFA0];
	s1 =	sadd.s32 $0x180, s1  }
0x377: {  	v57 =	vld [tilespmem:$0x1FFB0];
	[tilespmem:s14], [sflag:$0x2] =	stream.indirect.gather [hbm4b:s0+s21], $0x80, s1, s21, $0xb8  }
.LBB2_13:
0x378: {  	_ =	sfence.sel $0x180000  }
0x379: {  	[bflag:$0x0] =	sbarrier.arrive $0xFFFF  }
0x37a: {  	_ =	strace $0x90000047  }
0x37b: {  	s0 =	stileid.u32;
	[bflag:$0x2] =	sbarrier.arrive $0xFFFF  }
0x37c: {  	p0 =	sne.s32 s0, $0x0;
	s0 =	rddreg [dreg:$0x3]  }
0x37d: {  	s0 =	sadd.s32 @!p0 $0x100000, s0  }
0x37e: {  	[sflag:s0] =	ssyncadd.tile.s32 @!p0 $0x1;
	_ =	shalt  }
.Lfunc_end2:
_tile_overlayer_lowered:
.L_overlay_start_2:
0x37f: {  	(tag) =	ssettag $0x2  }
0x380: {  	s0 =	rddreg [dreg:$0x0];
	s2 =	stileid.u32  }
0x381: {  	s1 =	rddreg [dreg:$0x1];
	p0 =	sne.s32 s2, $0x0  }
0x382: {  	s3 =	rddreg [dreg:$0x2];
	[bflag:$0x3] =	sbarrier.arrive $0xFFFF;
	s2 =	simm.s32 @!p0 $0x1C05  }
0x383: {  	[timem:s3], [sflag:s2] =	dma.local @!p0 [hbm:s0], s1  }
0x384: {  	s0 =	simm.s32 @!p0 $0x5  }
0x385: {  	_ =	swait.ge @!p0 [sflag:s0], s1  }
0x386: {  	s1 =	ssub.s32 @!p0 $0x0, s1;
	[sflag:s0] =	ssyncset.done @!p0 $0x0  }
0x387: {  	[sflag:s0] =	ssyncadd.s32 @!p0 s1  }
0x388: {  	[bflag:$0x3] =	sbarrier.arrive $0xFFFF  }
0x389: {  	_ =	shalt  }

</sc_bundles>
